<compile_context>
chip_gen: v7x
topology: tpu7x:2x2x1
jax: 0.10.2.dev20260603
libtpu: 0.0.44.dev20260713+nightly
codegen_flags: <defaults>
</compile_context>

<pallas_src>
import jax
import jax.numpy as jnp
from jax import lax
from jax.experimental import pallas as pl
from jax.experimental.pallas import tpu as pltpu
from jax.experimental.pallas import tpu_sc as plsc

NC = 2
NS = 16
NW = NC * NS
CH = 128
NBUF = 10


def _make_body(B, H, D):
  ncn = B // (NW * CH)
  nce = (B * H) // (NW * CH)
  assert nce % NBUF == 0
  rows_n = ncn * CH
  rows_e = nce * CH

  def body(nodes_hbm, neigh_hbm, user_hbm, item_hbm,
           node_out, neigh_out, idx_n_v, idx_e_v, *scratch):
    bufs = scratch[:NBUF]
    gsem = scratch[NBUF:2 * NBUF]
    ssem = scratch[2 * NBUF:3 * NBUF]

    w = lax.axis_index("s") * NC + lax.axis_index("c")
    pltpu.sync_copy(nodes_hbm.at[w], idx_n_v)
    pltpu.sync_copy(neigh_hbm.at[w], idx_e_v)
    nbase = w * rows_n
    ebase = w * rows_e

    for j in range(ncn):
      pltpu.async_copy(user_hbm.at[idx_n_v.at[j]], bufs[j % NBUF],
                       gsem[j % NBUF])
    for j in range(ncn):
      b = j % NBUF
      pltpu.make_async_copy(user_hbm.at[idx_n_v.at[j]], bufs[b],
                            gsem[b]).wait()
      pltpu.async_copy(bufs[b], node_out.at[pl.ds(nbase + j * CH, CH)],
                       ssem[b])
    for j in range(ncn):
      b = j % NBUF
      pltpu.make_async_copy(bufs[b], node_out.at[pl.ds(nbase + j * CH, CH)],
                            ssem[b]).wait()

    for b in range(NBUF):
      pltpu.async_copy(item_hbm.at[idx_e_v.at[b]], bufs[b], gsem[b])

    def _do_round(c0, refill):
      for b in range(NBUF):
        c = c0 + b
        pltpu.make_async_copy(item_hbm.at[idx_e_v.at[c]], bufs[b],
                              gsem[b]).wait()
        pltpu.async_copy(bufs[b], neigh_out.at[pl.ds(ebase + c * CH, CH)],
                         ssem[b])
      for b in range(NBUF):
        c = c0 + b
        pltpu.make_async_copy(bufs[b],
                              neigh_out.at[pl.ds(ebase + c * CH, CH)],
                              ssem[b]).wait()
        if refill:
          pltpu.async_copy(item_hbm.at[idx_e_v.at[c + NBUF]], bufs[b],
                           gsem[b])

    @pl.loop(0, nce - NBUF, step=NBUF)
    def _round(c0):
      _do_round(c0, True)

    _do_round(nce - NBUF, False)

  return body, ncn, nce


def kernel(nodes, neighbors, degrees, user_table, item_table):
  B, H = neighbors.shape
  D = user_table.shape[1]
  assert B % (NW * CH) == 0 and (B * H) % (NW * CH) == 0

  body, ncn, nce = _make_body(B, H, D)

  mesh = plsc.VectorSubcoreMesh(
      core_axis_name="c", subcore_axis_name="s",
      num_cores=NC, num_subcores=NS)

  scratch = ([pltpu.VMEM((ncn, CH), jnp.int32),
              pltpu.VMEM((nce, CH), jnp.int32)]
             + [pltpu.VMEM((CH, D), jnp.float32) for _ in range(NBUF)]
             + [pltpu.SemaphoreType.DMA for _ in range(2 * NBUF)])

  run = pl.kernel(
      body,
      out_type=(
          jax.ShapeDtypeStruct((B, D), user_table.dtype),
          jax.ShapeDtypeStruct((B * H, D), item_table.dtype),
      ),
      mesh=mesh,
      compiler_params=pltpu.CompilerParams(use_tc_tiling_on_sc=False),
      scratch_types=scratch,
  )

  nodes_r = nodes.astype(jnp.int32).reshape(NW, ncn, CH)
  neigh_r = neighbors.astype(jnp.int32).reshape(NW, nce, CH)
  node_emb, neigh_flat = run(nodes_r, neigh_r, user_table, item_table)
  return (node_emb, neigh_flat.reshape(B, H, D), degrees)

# --- scband reference (transcript-rebuilt; emitter-appended) ---
"""Pipeline reference for scband-user-item-embeds-4836133175749 (READ-ONLY COPY).

The authoritative reference and input builder live on the scoring server;
editing this copy changes nothing except your own understanding.
"""

import jax, jax.numpy as jnp
import numpy as np

NUM_USERS = 1000000
NUM_ITEMS = 1000000
EMBED_DIM = 64
BATCH = 16384
HIST = 50


def setup_inputs(seed: int = 0) -> dict:
    key = jax.random.key(seed)
    k1, k2, k3, k4, k5 = jax.random.split(key, 5)
    user_table = jax.random.normal(k1, (NUM_USERS, EMBED_DIM), dtype=jnp.float32) * 0.02
    item_table = jax.random.normal(k2, (NUM_ITEMS, EMBED_DIM), dtype=jnp.float32) * 0.02
    nodes = jax.random.randint(k3, (BATCH,), 0, NUM_USERS, dtype=jnp.int64 if jax.config.read('jax_enable_x64') else jnp.int32)
    neighbors = jax.random.randint(k4, (BATCH, HIST), 0, NUM_ITEMS, dtype=jnp.int64 if jax.config.read('jax_enable_x64') else jnp.int32)
    degrees = jax.random.uniform(k5, (BATCH,), dtype=jnp.float32) * 64.0
    return {
        'nodes': nodes,
        'neighbors': neighbors,
        'degrees': degrees,
        'user_table': user_table,
        'item_table': item_table,
    }


def reference(nodes, neighbors, degrees, user_table, item_table):
    # Faithful translation of UserItemEmbeds.forward with is_user=True, with_neighbor=True:
    #   return (self.user_embeds(nodes), self.item_embeds(neighbors), degrees)
    node_emb = jnp.take(user_table, nodes, axis=0)          # [B, D] gather from user table
    neigh_emb = jnp.take(item_table, neighbors, axis=0)     # [B, H, D] gather from item table
    return (node_emb, neigh_emb, degrees)

if __name__ == "__main__":
    import jax
    _d = setup_inputs()
    print(jax.jit(kernel)(*tuple(_d.values())))

</pallas_src>

<mosaic_0001>
#map = affine_map<(d0, d1) -> (0, 0, 0)>
#map1 = affine_map<(d0, d1) -> (0, 0)>
module attributes {stable_mosaic.version = 14 : i64} {
  func.func @body(%arg0: i32, %arg1: i32, %arg2: memref<32x4x128xi32, #tpu.memory_space<hbm>>, %arg3: memref<32x200x128xi32, #tpu.memory_space<hbm>>, %arg4: memref<1000000x64xf32, #tpu.memory_space<hbm>>, %arg5: memref<1000000x64xf32, #tpu.memory_space<hbm>>, %arg6: memref<16384x64xf32, #tpu.memory_space<hbm>>, %arg7: memref<819200x64xf32, #tpu.memory_space<hbm>>, %arg8: memref<4x128xi32, #tpu.memory_space<vmem>>, %arg9: memref<200x128xi32, #tpu.memory_space<vmem>>, %arg10: memref<128x64xf32, #tpu.memory_space<vmem>>, %arg11: memref<128x64xf32, #tpu.memory_space<vmem>>, %arg12: memref<128x64xf32, #tpu.memory_space<vmem>>, %arg13: memref<128x64xf32, #tpu.memory_space<vmem>>, %arg14: memref<128x64xf32, #tpu.memory_space<vmem>>, %arg15: memref<128x64xf32, #tpu.memory_space<vmem>>, %arg16: memref<128x64xf32, #tpu.memory_space<vmem>>, %arg17: memref<128x64xf32, #tpu.memory_space<vmem>>, %arg18: memref<128x64xf32, #tpu.memory_space<vmem>>, %arg19: memref<128x64xf32, #tpu.memory_space<vmem>>, %arg20: memref<!tpu.dma_semaphore, #tpu.memory_space<semaphore_mem>>, %arg21: memref<!tpu.dma_semaphore, #tpu.memory_space<semaphore_mem>>, %arg22: memref<!tpu.dma_semaphore, #tpu.memory_space<semaphore_mem>>, %arg23: memref<!tpu.dma_semaphore, #tpu.memory_space<semaphore_mem>>, %arg24: memref<!tpu.dma_semaphore, #tpu.memory_space<semaphore_mem>>, %arg25: memref<!tpu.dma_semaphore, #tpu.memory_space<semaphore_mem>>, %arg26: memref<!tpu.dma_semaphore, #tpu.memory_space<semaphore_mem>>, %arg27: memref<!tpu.dma_semaphore, #tpu.memory_space<semaphore_mem>>, %arg28: memref<!tpu.dma_semaphore, #tpu.memory_space<semaphore_mem>>, %arg29: memref<!tpu.dma_semaphore, #tpu.memory_space<semaphore_mem>>, %arg30: memref<!tpu.dma_semaphore, #tpu.memory_space<semaphore_mem>>, %arg31: memref<!tpu.dma_semaphore, #tpu.memory_space<semaphore_mem>>, %arg32: memref<!tpu.dma_semaphore, #tpu.memory_space<semaphore_mem>>, %arg33: memref<!tpu.dma_semaphore, #tpu.memory_space<semaphore_mem>>, %arg34: memref<!tpu.dma_semaphore, #tpu.memory_space<semaphore_mem>>, %arg35: memref<!tpu.dma_semaphore, #tpu.memory_space<semaphore_mem>>, %arg36: memref<!tpu.dma_semaphore, #tpu.memory_space<semaphore_mem>>, %arg37: memref<!tpu.dma_semaphore, #tpu.memory_space<semaphore_mem>>, %arg38: memref<!tpu.dma_semaphore, #tpu.memory_space<semaphore_mem>>, %arg39: memref<!tpu.dma_semaphore, #tpu.memory_space<semaphore_mem>>) attributes {dimension_semantics = [#tpu.dimension_semantics<core_parallel>, #tpu.dimension_semantics<subcore_parallel>], iteration_bounds = array<i64: 2, 16>, scalar_prefetch = 0 : i64, scratch_operands = 32 : i64, tpu.core_type = #tpu.core_type<sc_vector_subcore>, window_params = [{transform_indices = #map}, {transform_indices = #map}, {transform_indices = #map1}, {transform_indices = #map1}, {transform_indices = #map1}, {transform_indices = #map1}]} {
    %mul3A = arith.constant 2 : i32
    %mul3A_0 = arith.muli %arg1, %mul3A : i32
    %add3A = arith.addi %mul3A_0, %arg0 : i32
    "tpu.region"() ({
      %run_scoped3A = tpu.sem_alloc : memref<!tpu.dma_semaphore, #tpu.memory_space<semaphore_mem>>
      %dma_start3A_371 = arith.constant 0 : i32
      %dma_start3A_372 = arith.constant 0 : i32
      %dma_start3A_373 = tpu.memref_slice %arg2[%add3A, %dma_start3A_371, %dma_start3A_372] : memref<32x4x128xi32, #tpu.memory_space<hbm>> -> memref<1x4x128xi32, #tpu.memory_space<hbm>>
      %dma_start3A_374 = tpu.memref_squeeze %dma_start3A_373 : memref<1x4x128xi32, #tpu.memory_space<hbm>> -> memref<4x128xi32, #tpu.memory_space<hbm>>
      %dma_start3A_375 = arith.constant 0 : i32
      %dma_start3A_376 = arith.constant 0 : i32
      %dma_start3A_377 = tpu.memref_slice %arg2[%add3A, %dma_start3A_375, %dma_start3A_376] : memref<32x4x128xi32, #tpu.memory_space<hbm>> -> memref<1x4x128xi32, #tpu.memory_space<hbm>>
      %dma_start3A_378 = tpu.memref_squeeze %dma_start3A_377 : memref<1x4x128xi32, #tpu.memory_space<hbm>> -> memref<4x128xi32, #tpu.memory_space<hbm>>
      tpu.enqueue_dma source(%dma_start3A_378 : memref<4x128xi32, #tpu.memory_space<hbm>>) target(%arg8 : memref<4x128xi32, #tpu.memory_space<vmem>>) target_semaphore(%run_scoped3A : memref<!tpu.dma_semaphore, #tpu.memory_space<semaphore_mem>>)
      %dma_wait3A_379 = arith.constant 0 : i32
      %dma_wait3A_380 = arith.constant 0 : i32
      %dma_wait3A_381 = tpu.memref_slice %arg2[%add3A, %dma_wait3A_379, %dma_wait3A_380] : memref<32x4x128xi32, #tpu.memory_space<hbm>> -> memref<1x4x128xi32, #tpu.memory_space<hbm>>
      %dma_wait3A_382 = tpu.memref_squeeze %dma_wait3A_381 : memref<1x4x128xi32, #tpu.memory_space<hbm>> -> memref<4x128xi32, #tpu.memory_space<hbm>>
      %dma_wait3A_383 = arith.constant 0 : i32
      %dma_wait3A_384 = arith.constant 0 : i32
      %dma_wait3A_385 = tpu.memref_slice %arg2[%add3A, %dma_wait3A_383, %dma_wait3A_384] : memref<32x4x128xi32, #tpu.memory_space<hbm>> -> memref<1x4x128xi32, #tpu.memory_space<hbm>>
      %dma_wait3A_386 = tpu.memref_squeeze %dma_wait3A_385 : memref<1x4x128xi32, #tpu.memory_space<hbm>> -> memref<4x128xi32, #tpu.memory_space<hbm>>
      tpu.wait_dma2 semaphore(%run_scoped3A : memref<!tpu.dma_semaphore, #tpu.memory_space<semaphore_mem>>) src(%dma_wait3A_386 : memref<4x128xi32, #tpu.memory_space<hbm>>) dst(%arg8 : memref<4x128xi32, #tpu.memory_space<vmem>>)
      tpu.yield
    }) : () -> ()
    "tpu.region"() ({
      %run_scoped3A = tpu.sem_alloc : memref<!tpu.dma_semaphore, #tpu.memory_space<semaphore_mem>>
      %dma_start3A_371 = arith.constant 0 : i32
      %dma_start3A_372 = arith.constant 0 : i32
      %dma_start3A_373 = tpu.memref_slice %arg3[%add3A, %dma_start3A_371, %dma_start3A_372] : memref<32x200x128xi32, #tpu.memory_space<hbm>> -> memref<1x200x128xi32, #tpu.memory_space<hbm>>
      %dma_start3A_374 = tpu.memref_squeeze %dma_start3A_373 : memref<1x200x128xi32, #tpu.memory_space<hbm>> -> memref<200x128xi32, #tpu.memory_space<hbm>>
      %dma_start3A_375 = arith.constant 0 : i32
      %dma_start3A_376 = arith.constant 0 : i32
      %dma_start3A_377 = tpu.memref_slice %arg3[%add3A, %dma_start3A_375, %dma_start3A_376] : memref<32x200x128xi32, #tpu.memory_space<hbm>> -> memref<1x200x128xi32, #tpu.memory_space<hbm>>
      %dma_start3A_378 = tpu.memref_squeeze %dma_start3A_377 : memref<1x200x128xi32, #tpu.memory_space<hbm>> -> memref<200x128xi32, #tpu.memory_space<hbm>>
      tpu.enqueue_dma source(%dma_start3A_378 : memref<200x128xi32, #tpu.memory_space<hbm>>) target(%arg9 : memref<200x128xi32, #tpu.memory_space<vmem>>) target_semaphore(%run_scoped3A : memref<!tpu.dma_semaphore, #tpu.memory_space<semaphore_mem>>)
      %dma_wait3A_379 = arith.constant 0 : i32
      %dma_wait3A_380 = arith.constant 0 : i32
      %dma_wait3A_381 = tpu.memref_slice %arg3[%add3A, %dma_wait3A_379, %dma_wait3A_380] : memref<32x200x128xi32, #tpu.memory_space<hbm>> -> memref<1x200x128xi32, #tpu.memory_space<hbm>>
      %dma_wait3A_382 = tpu.memref_squeeze %dma_wait3A_381 : memref<1x200x128xi32, #tpu.memory_space<hbm>> -> memref<200x128xi32, #tpu.memory_space<hbm>>
      %dma_wait3A_383 = arith.constant 0 : i32
      %dma_wait3A_384 = arith.constant 0 : i32
      %dma_wait3A_385 = tpu.memref_slice %arg3[%add3A, %dma_wait3A_383, %dma_wait3A_384] : memref<32x200x128xi32, #tpu.memory_space<hbm>> -> memref<1x200x128xi32, #tpu.memory_space<hbm>>
      %dma_wait3A_386 = tpu.memref_squeeze %dma_wait3A_385 : memref<1x200x128xi32, #tpu.memory_space<hbm>> -> memref<200x128xi32, #tpu.memory_space<hbm>>
      tpu.wait_dma2 semaphore(%run_scoped3A : memref<!tpu.dma_semaphore, #tpu.memory_space<semaphore_mem>>) src(%dma_wait3A_386 : memref<200x128xi32, #tpu.memory_space<hbm>>) dst(%arg9 : memref<200x128xi32, #tpu.memory_space<vmem>>)
      tpu.yield
    }) : () -> ()
    %mul3A_1 = arith.constant 512 : i32
    %mul3A_2 = arith.muli %add3A, %mul3A_1 : i32
    %mul3A_3 = arith.constant 25600 : i32
    %mul3A_4 = arith.muli %add3A, %mul3A_3 : i32
    %dma_start3A = arith.constant 0 : i32
    %dma_start3A_5 = arith.constant 0 : i32
    %dma_start3A_6 = tpu.memref_slice %arg8[%dma_start3A, %dma_start3A_5] : memref<4x128xi32, #tpu.memory_space<vmem>> -> memref<1x128xi32, #tpu.memory_space<vmem>>
    %dma_start3A_7 = tpu.memref_squeeze %dma_start3A_6 : memref<1x128xi32, #tpu.memory_space<vmem>> -> memref<128xi32, #tpu.memory_space<vmem>>
    %dma_start3A_8 = arith.constant 0 : i32
    %dma_start3A_9 = arith.constant 0 : i32
    %dma_start3A_10 = tpu.memref_slice %arg4[%dma_start3A_8, %dma_start3A_9] : memref<1000000x64xf32, #tpu.memory_space<hbm>> -> memref<1000000x64xf32, #tpu.memory_space<hbm>>
    tpu.enqueue_indirect_dma source(%dma_start3A_10 : memref<1000000x64xf32, #tpu.memory_space<hbm>>) target(%arg10 : memref<128x64xf32, #tpu.memory_space<vmem>>) offsets(%dma_start3A_7 : memref<128xi32, #tpu.memory_space<vmem>>) semaphore(%arg20 : memref<!tpu.dma_semaphore, #tpu.memory_space<semaphore_mem>>)
    %dma_start3A_11 = arith.constant 1 : i32
    %dma_start3A_12 = arith.constant 0 : i32
    %dma_start3A_13 = tpu.memref_slice %arg8[%dma_start3A_11, %dma_start3A_12] : memref<4x128xi32, #tpu.memory_space<vmem>> -> memref<1x128xi32, #tpu.memory_space<vmem>>
    %dma_start3A_14 = tpu.memref_squeeze %dma_start3A_13 : memref<1x128xi32, #tpu.memory_space<vmem>> -> memref<128xi32, #tpu.memory_space<vmem>>
    %dma_start3A_15 = arith.constant 0 : i32
    %dma_start3A_16 = arith.constant 0 : i32
    %dma_start3A_17 = tpu.memref_slice %arg4[%dma_start3A_15, %dma_start3A_16] : memref<1000000x64xf32, #tpu.memory_space<hbm>> -> memref<1000000x64xf32, #tpu.memory_space<hbm>>
    tpu.enqueue_indirect_dma source(%dma_start3A_17 : memref<1000000x64xf32, #tpu.memory_space<hbm>>) target(%arg11 : memref<128x64xf32, #tpu.memory_space<vmem>>) offsets(%dma_start3A_14 : memref<128xi32, #tpu.memory_space<vmem>>) semaphore(%arg21 : memref<!tpu.dma_semaphore, #tpu.memory_space<semaphore_mem>>)
    %dma_start3A_18 = arith.constant 2 : i32
    %dma_start3A_19 = arith.constant 0 : i32
    %dma_start3A_20 = tpu.memref_slice %arg8[%dma_start3A_18, %dma_start3A_19] : memref<4x128xi32, #tpu.memory_space<vmem>> -> memref<1x128xi32, #tpu.memory_space<vmem>>
    %dma_start3A_21 = tpu.memref_squeeze %dma_start3A_20 : memref<1x128xi32, #tpu.memory_space<vmem>> -> memref<128xi32, #tpu.memory_space<vmem>>
    %dma_start3A_22 = arith.constant 0 : i32
    %dma_start3A_23 = arith.constant 0 : i32
    %dma_start3A_24 = tpu.memref_slice %arg4[%dma_start3A_22, %dma_start3A_23] : memref<1000000x64xf32, #tpu.memory_space<hbm>> -> memref<1000000x64xf32, #tpu.memory_space<hbm>>
    tpu.enqueue_indirect_dma source(%dma_start3A_24 : memref<1000000x64xf32, #tpu.memory_space<hbm>>) target(%arg12 : memref<128x64xf32, #tpu.memory_space<vmem>>) offsets(%dma_start3A_21 : memref<128xi32, #tpu.memory_space<vmem>>) semaphore(%arg22 : memref<!tpu.dma_semaphore, #tpu.memory_space<semaphore_mem>>)
    %dma_start3A_25 = arith.constant 3 : i32
    %dma_start3A_26 = arith.constant 0 : i32
    %dma_start3A_27 = tpu.memref_slice %arg8[%dma_start3A_25, %dma_start3A_26] : memref<4x128xi32, #tpu.memory_space<vmem>> -> memref<1x128xi32, #tpu.memory_space<vmem>>
    %dma_start3A_28 = tpu.memref_squeeze %dma_start3A_27 : memref<1x128xi32, #tpu.memory_space<vmem>> -> memref<128xi32, #tpu.memory_space<vmem>>
    %dma_start3A_29 = arith.constant 0 : i32
    %dma_start3A_30 = arith.constant 0 : i32
    %dma_start3A_31 = tpu.memref_slice %arg4[%dma_start3A_29, %dma_start3A_30] : memref<1000000x64xf32, #tpu.memory_space<hbm>> -> memref<1000000x64xf32, #tpu.memory_space<hbm>>
    tpu.enqueue_indirect_dma source(%dma_start3A_31 : memref<1000000x64xf32, #tpu.memory_space<hbm>>) target(%arg13 : memref<128x64xf32, #tpu.memory_space<vmem>>) offsets(%dma_start3A_28 : memref<128xi32, #tpu.memory_space<vmem>>) semaphore(%arg23 : memref<!tpu.dma_semaphore, #tpu.memory_space<semaphore_mem>>)
    %dma_wait3A = arith.constant 0 : i32
    %dma_wait3A_32 = arith.constant 0 : i32
    %dma_wait3A_33 = tpu.memref_slice %arg8[%dma_wait3A, %dma_wait3A_32] : memref<4x128xi32, #tpu.memory_space<vmem>> -> memref<1x128xi32, #tpu.memory_space<vmem>>
    %dma_wait3A_34 = tpu.memref_squeeze %dma_wait3A_33 : memref<1x128xi32, #tpu.memory_space<vmem>> -> memref<128xi32, #tpu.memory_space<vmem>>
    %dma_wait3A_35 = arith.constant 0 : i32
    %dma_wait3A_36 = arith.constant 0 : i32
    %dma_wait3A_37 = tpu.memref_slice %arg4[%dma_wait3A_35, %dma_wait3A_36] : memref<1000000x64xf32, #tpu.memory_space<hbm>> -> memref<1000000x64xf32, #tpu.memory_space<hbm>>
    tpu.wait_indirect_dma semaphore(%arg20 : memref<!tpu.dma_semaphore, #tpu.memory_space<semaphore_mem>>) src(%dma_wait3A_37 : memref<1000000x64xf32, #tpu.memory_space<hbm>>) dst(%arg10 : memref<128x64xf32, #tpu.memory_space<vmem>>)
    %add3A_38 = arith.constant 0 : i32
    %add3A_39 = arith.addi %mul3A_2, %add3A_38 : i32
    %dma_start3A_40 = arith.constant 0 : i32
    %dma_start3A_41 = tpu.memref_slice %arg6[%add3A_39, %dma_start3A_40] : memref<16384x64xf32, #tpu.memory_space<hbm>> -> memref<128x64xf32, #tpu.memory_space<hbm>>
    %dma_start3A_42 = arith.constant 0 : i32
    %dma_start3A_43 = tpu.memref_slice %arg6[%add3A_39, %dma_start3A_42] : memref<16384x64xf32, #tpu.memory_space<hbm>> -> memref<128x64xf32, #tpu.memory_space<hbm>>
    tpu.enqueue_dma source(%arg10 : memref<128x64xf32, #tpu.memory_space<vmem>>) target(%dma_start3A_43 : memref<128x64xf32, #tpu.memory_space<hbm>>) target_semaphore(%arg30 : memref<!tpu.dma_semaphore, #tpu.memory_space<semaphore_mem>>)
    %dma_wait3A_44 = arith.constant 1 : i32
    %dma_wait3A_45 = arith.constant 0 : i32
    %dma_wait3A_46 = tpu.memref_slice %arg8[%dma_wait3A_44, %dma_wait3A_45] : memref<4x128xi32, #tpu.memory_space<vmem>> -> memref<1x128xi32, #tpu.memory_space<vmem>>
    %dma_wait3A_47 = tpu.memref_squeeze %dma_wait3A_46 : memref<1x128xi32, #tpu.memory_space<vmem>> -> memref<128xi32, #tpu.memory_space<vmem>>
    %dma_wait3A_48 = arith.constant 0 : i32
    %dma_wait3A_49 = arith.constant 0 : i32
    %dma_wait3A_50 = tpu.memref_slice %arg4[%dma_wait3A_48, %dma_wait3A_49] : memref<1000000x64xf32, #tpu.memory_space<hbm>> -> memref<1000000x64xf32, #tpu.memory_space<hbm>>
    tpu.wait_indirect_dma semaphore(%arg21 : memref<!tpu.dma_semaphore, #tpu.memory_space<semaphore_mem>>) src(%dma_wait3A_50 : memref<1000000x64xf32, #tpu.memory_space<hbm>>) dst(%arg11 : memref<128x64xf32, #tpu.memory_space<vmem>>)
    %add3A_51 = arith.constant 128 : i32
    %add3A_52 = arith.addi %mul3A_2, %add3A_51 : i32
    %dma_start3A_53 = arith.constant 0 : i32
    %dma_start3A_54 = tpu.memref_slice %arg6[%add3A_52, %dma_start3A_53] : memref<16384x64xf32, #tpu.memory_space<hbm>> -> memref<128x64xf32, #tpu.memory_space<hbm>>
    %dma_start3A_55 = arith.constant 0 : i32
    %dma_start3A_56 = tpu.memref_slice %arg6[%add3A_52, %dma_start3A_55] : memref<16384x64xf32, #tpu.memory_space<hbm>> -> memref<128x64xf32, #tpu.memory_space<hbm>>
    tpu.enqueue_dma source(%arg11 : memref<128x64xf32, #tpu.memory_space<vmem>>) target(%dma_start3A_56 : memref<128x64xf32, #tpu.memory_space<hbm>>) target_semaphore(%arg31 : memref<!tpu.dma_semaphore, #tpu.memory_space<semaphore_mem>>)
    %dma_wait3A_57 = arith.constant 2 : i32
    %dma_wait3A_58 = arith.constant 0 : i32
    %dma_wait3A_59 = tpu.memref_slice %arg8[%dma_wait3A_57, %dma_wait3A_58] : memref<4x128xi32, #tpu.memory_space<vmem>> -> memref<1x128xi32, #tpu.memory_space<vmem>>
    %dma_wait3A_60 = tpu.memref_squeeze %dma_wait3A_59 : memref<1x128xi32, #tpu.memory_space<vmem>> -> memref<128xi32, #tpu.memory_space<vmem>>
    %dma_wait3A_61 = arith.constant 0 : i32
    %dma_wait3A_62 = arith.constant 0 : i32
    %dma_wait3A_63 = tpu.memref_slice %arg4[%dma_wait3A_61, %dma_wait3A_62] : memref<1000000x64xf32, #tpu.memory_space<hbm>> -> memref<1000000x64xf32, #tpu.memory_space<hbm>>
    tpu.wait_indirect_dma semaphore(%arg22 : memref<!tpu.dma_semaphore, #tpu.memory_space<semaphore_mem>>) src(%dma_wait3A_63 : memref<1000000x64xf32, #tpu.memory_space<hbm>>) dst(%arg12 : memref<128x64xf32, #tpu.memory_space<vmem>>)
    %add3A_64 = arith.constant 256 : i32
    %add3A_65 = arith.addi %mul3A_2, %add3A_64 : i32
    %dma_start3A_66 = arith.constant 0 : i32
    %dma_start3A_67 = tpu.memref_slice %arg6[%add3A_65, %dma_start3A_66] : memref<16384x64xf32, #tpu.memory_space<hbm>> -> memref<128x64xf32, #tpu.memory_space<hbm>>
    %dma_start3A_68 = arith.constant 0 : i32
    %dma_start3A_69 = tpu.memref_slice %arg6[%add3A_65, %dma_start3A_68] : memref<16384x64xf32, #tpu.memory_space<hbm>> -> memref<128x64xf32, #tpu.memory_space<hbm>>
    tpu.enqueue_dma source(%arg12 : memref<128x64xf32, #tpu.memory_space<vmem>>) target(%dma_start3A_69 : memref<128x64xf32, #tpu.memory_space<hbm>>) target_semaphore(%arg32 : memref<!tpu.dma_semaphore, #tpu.memory_space<semaphore_mem>>)
    %dma_wait3A_70 = arith.constant 3 : i32
    %dma_wait3A_71 = arith.constant 0 : i32
    %dma_wait3A_72 = tpu.memref_slice %arg8[%dma_wait3A_70, %dma_wait3A_71] : memref<4x128xi32, #tpu.memory_space<vmem>> -> memref<1x128xi32, #tpu.memory_space<vmem>>
    %dma_wait3A_73 = tpu.memref_squeeze %dma_wait3A_72 : memref<1x128xi32, #tpu.memory_space<vmem>> -> memref<128xi32, #tpu.memory_space<vmem>>
    %dma_wait3A_74 = arith.constant 0 : i32
    %dma_wait3A_75 = arith.constant 0 : i32
    %dma_wait3A_76 = tpu.memref_slice %arg4[%dma_wait3A_74, %dma_wait3A_75] : memref<1000000x64xf32, #tpu.memory_space<hbm>> -> memref<1000000x64xf32, #tpu.memory_space<hbm>>
    tpu.wait_indirect_dma semaphore(%arg23 : memref<!tpu.dma_semaphore, #tpu.memory_space<semaphore_mem>>) src(%dma_wait3A_76 : memref<1000000x64xf32, #tpu.memory_space<hbm>>) dst(%arg13 : memref<128x64xf32, #tpu.memory_space<vmem>>)
    %add3A_77 = arith.constant 384 : i32
    %add3A_78 = arith.addi %mul3A_2, %add3A_77 : i32
    %dma_start3A_79 = arith.constant 0 : i32
    %dma_start3A_80 = tpu.memref_slice %arg6[%add3A_78, %dma_start3A_79] : memref<16384x64xf32, #tpu.memory_space<hbm>> -> memref<128x64xf32, #tpu.memory_space<hbm>>
    %dma_start3A_81 = arith.constant 0 : i32
    %dma_start3A_82 = tpu.memref_slice %arg6[%add3A_78, %dma_start3A_81] : memref<16384x64xf32, #tpu.memory_space<hbm>> -> memref<128x64xf32, #tpu.memory_space<hbm>>
    tpu.enqueue_dma source(%arg13 : memref<128x64xf32, #tpu.memory_space<vmem>>) target(%dma_start3A_82 : memref<128x64xf32, #tpu.memory_space<hbm>>) target_semaphore(%arg33 : memref<!tpu.dma_semaphore, #tpu.memory_space<semaphore_mem>>)
    %add3A_83 = arith.constant 0 : i32
    %add3A_84 = arith.addi %mul3A_2, %add3A_83 : i32
    %dma_wait3A_85 = arith.constant 0 : i32
    %dma_wait3A_86 = tpu.memref_slice %arg6[%add3A_84, %dma_wait3A_85] : memref<16384x64xf32, #tpu.memory_space<hbm>> -> memref<128x64xf32, #tpu.memory_space<hbm>>
    %dma_wait3A_87 = arith.constant 0 : i32
    %dma_wait3A_88 = tpu.memref_slice %arg6[%add3A_84, %dma_wait3A_87] : memref<16384x64xf32, #tpu.memory_space<hbm>> -> memref<128x64xf32, #tpu.memory_space<hbm>>
    tpu.wait_dma2 semaphore(%arg30 : memref<!tpu.dma_semaphore, #tpu.memory_space<semaphore_mem>>) src(%arg10 : memref<128x64xf32, #tpu.memory_space<vmem>>) dst(%dma_wait3A_88 : memref<128x64xf32, #tpu.memory_space<hbm>>)
    %add3A_89 = arith.constant 128 : i32
    %add3A_90 = arith.addi %mul3A_2, %add3A_89 : i32
    %dma_wait3A_91 = arith.constant 0 : i32
    %dma_wait3A_92 = tpu.memref_slice %arg6[%add3A_90, %dma_wait3A_91] : memref<16384x64xf32, #tpu.memory_space<hbm>> -> memref<128x64xf32, #tpu.memory_space<hbm>>
    %dma_wait3A_93 = arith.constant 0 : i32
    %dma_wait3A_94 = tpu.memref_slice %arg6[%add3A_90, %dma_wait3A_93] : memref<16384x64xf32, #tpu.memory_space<hbm>> -> memref<128x64xf32, #tpu.memory_space<hbm>>
    tpu.wait_dma2 semaphore(%arg31 : memref<!tpu.dma_semaphore, #tpu.memory_space<semaphore_mem>>) src(%arg11 : memref<128x64xf32, #tpu.memory_space<vmem>>) dst(%dma_wait3A_94 : memref<128x64xf32, #tpu.memory_space<hbm>>)
    %add3A_95 = arith.constant 256 : i32
    %add3A_96 = arith.addi %mul3A_2, %add3A_95 : i32
    %dma_wait3A_97 = arith.constant 0 : i32
    %dma_wait3A_98 = tpu.memref_slice %arg6[%add3A_96, %dma_wait3A_97] : memref<16384x64xf32, #tpu.memory_space<hbm>> -> memref<128x64xf32, #tpu.memory_space<hbm>>
    %dma_wait3A_99 = arith.constant 0 : i32
    %dma_wait3A_100 = tpu.memref_slice %arg6[%add3A_96, %dma_wait3A_99] : memref<16384x64xf32, #tpu.memory_space<hbm>> -> memref<128x64xf32, #tpu.memory_space<hbm>>
    tpu.wait_dma2 semaphore(%arg32 : memref<!tpu.dma_semaphore, #tpu.memory_space<semaphore_mem>>) src(%arg12 : memref<128x64xf32, #tpu.memory_space<vmem>>) dst(%dma_wait3A_100 : memref<128x64xf32, #tpu.memory_space<hbm>>)
    %add3A_101 = arith.constant 384 : i32
    %add3A_102 = arith.addi %mul3A_2, %add3A_101 : i32
    %dma_wait3A_103 = arith.constant 0 : i32
    %dma_wait3A_104 = tpu.memref_slice %arg6[%add3A_102, %dma_wait3A_103] : memref<16384x64xf32, #tpu.memory_space<hbm>> -> memref<128x64xf32, #tpu.memory_space<hbm>>
    %dma_wait3A_105 = arith.constant 0 : i32
    %dma_wait3A_106 = tpu.memref_slice %arg6[%add3A_102, %dma_wait3A_105] : memref<16384x64xf32, #tpu.memory_space<hbm>> -> memref<128x64xf32, #tpu.memory_space<hbm>>
    tpu.wait_dma2 semaphore(%arg33 : memref<!tpu.dma_semaphore, #tpu.memory_space<semaphore_mem>>) src(%arg13 : memref<128x64xf32, #tpu.memory_space<vmem>>) dst(%dma_wait3A_106 : memref<128x64xf32, #tpu.memory_space<hbm>>)
    %dma_start3A_107 = arith.constant 0 : i32
    %dma_start3A_108 = arith.constant 0 : i32
    %dma_start3A_109 = tpu.memref_slice %arg9[%dma_start3A_107, %dma_start3A_108] : memref<200x128xi32, #tpu.memory_space<vmem>> -> memref<1x128xi32, #tpu.memory_space<vmem>>
    %dma_start3A_110 = tpu.memref_squeeze %dma_start3A_109 : memref<1x128xi32, #tpu.memory_space<vmem>> -> memref<128xi32, #tpu.memory_space<vmem>>
    %dma_start3A_111 = arith.constant 0 : i32
    %dma_start3A_112 = arith.constant 0 : i32
    %dma_start3A_113 = tpu.memref_slice %arg5[%dma_start3A_111, %dma_start3A_112] : memref<1000000x64xf32, #tpu.memory_space<hbm>> -> memref<1000000x64xf32, #tpu.memory_space<hbm>>
    tpu.enqueue_indirect_dma source(%dma_start3A_113 : memref<1000000x64xf32, #tpu.memory_space<hbm>>) target(%arg10 : memref<128x64xf32, #tpu.memory_space<vmem>>) offsets(%dma_start3A_110 : memref<128xi32, #tpu.memory_space<vmem>>) semaphore(%arg20 : memref<!tpu.dma_semaphore, #tpu.memory_space<semaphore_mem>>)
    %dma_start3A_114 = arith.constant 1 : i32
    %dma_start3A_115 = arith.constant 0 : i32
    %dma_start3A_116 = tpu.memref_slice %arg9[%dma_start3A_114, %dma_start3A_115] : memref<200x128xi32, #tpu.memory_space<vmem>> -> memref<1x128xi32, #tpu.memory_space<vmem>>
    %dma_start3A_117 = tpu.memref_squeeze %dma_start3A_116 : memref<1x128xi32, #tpu.memory_space<vmem>> -> memref<128xi32, #tpu.memory_space<vmem>>
    %dma_start3A_118 = arith.constant 0 : i32
    %dma_start3A_119 = arith.constant 0 : i32
    %dma_start3A_120 = tpu.memref_slice %arg5[%dma_start3A_118, %dma_start3A_119] : memref<1000000x64xf32, #tpu.memory_space<hbm>> -> memref<1000000x64xf32, #tpu.memory_space<hbm>>
    tpu.enqueue_indirect_dma source(%dma_start3A_120 : memref<1000000x64xf32, #tpu.memory_space<hbm>>) target(%arg11 : memref<128x64xf32, #tpu.memory_space<vmem>>) offsets(%dma_start3A_117 : memref<128xi32, #tpu.memory_space<vmem>>) semaphore(%arg21 : memref<!tpu.dma_semaphore, #tpu.memory_space<semaphore_mem>>)
    %dma_start3A_121 = arith.constant 2 : i32
    %dma_start3A_122 = arith.constant 0 : i32
    %dma_start3A_123 = tpu.memref_slice %arg9[%dma_start3A_121, %dma_start3A_122] : memref<200x128xi32, #tpu.memory_space<vmem>> -> memref<1x128xi32, #tpu.memory_space<vmem>>
    %dma_start3A_124 = tpu.memref_squeeze %dma_start3A_123 : memref<1x128xi32, #tpu.memory_space<vmem>> -> memref<128xi32, #tpu.memory_space<vmem>>
    %dma_start3A_125 = arith.constant 0 : i32
    %dma_start3A_126 = arith.constant 0 : i32
    %dma_start3A_127 = tpu.memref_slice %arg5[%dma_start3A_125, %dma_start3A_126] : memref<1000000x64xf32, #tpu.memory_space<hbm>> -> memref<1000000x64xf32, #tpu.memory_space<hbm>>
    tpu.enqueue_indirect_dma source(%dma_start3A_127 : memref<1000000x64xf32, #tpu.memory_space<hbm>>) target(%arg12 : memref<128x64xf32, #tpu.memory_space<vmem>>) offsets(%dma_start3A_124 : memref<128xi32, #tpu.memory_space<vmem>>) semaphore(%arg22 : memref<!tpu.dma_semaphore, #tpu.memory_space<semaphore_mem>>)
    %dma_start3A_128 = arith.constant 3 : i32
    %dma_start3A_129 = arith.constant 0 : i32
    %dma_start3A_130 = tpu.memref_slice %arg9[%dma_start3A_128, %dma_start3A_129] : memref<200x128xi32, #tpu.memory_space<vmem>> -> memref<1x128xi32, #tpu.memory_space<vmem>>
    %dma_start3A_131 = tpu.memref_squeeze %dma_start3A_130 : memref<1x128xi32, #tpu.memory_space<vmem>> -> memref<128xi32, #tpu.memory_space<vmem>>
    %dma_start3A_132 = arith.constant 0 : i32
    %dma_start3A_133 = arith.constant 0 : i32
    %dma_start3A_134 = tpu.memref_slice %arg5[%dma_start3A_132, %dma_start3A_133] : memref<1000000x64xf32, #tpu.memory_space<hbm>> -> memref<1000000x64xf32, #tpu.memory_space<hbm>>
    tpu.enqueue_indirect_dma source(%dma_start3A_134 : memref<1000000x64xf32, #tpu.memory_space<hbm>>) target(%arg13 : memref<128x64xf32, #tpu.memory_space<vmem>>) offsets(%dma_start3A_131 : memref<128xi32, #tpu.memory_space<vmem>>) semaphore(%arg23 : memref<!tpu.dma_semaphore, #tpu.memory_space<semaphore_mem>>)
    %dma_start3A_135 = arith.constant 4 : i32
    %dma_start3A_136 = arith.constant 0 : i32
    %dma_start3A_137 = tpu.memref_slice %arg9[%dma_start3A_135, %dma_start3A_136] : memref<200x128xi32, #tpu.memory_space<vmem>> -> memref<1x128xi32, #tpu.memory_space<vmem>>
    %dma_start3A_138 = tpu.memref_squeeze %dma_start3A_137 : memref<1x128xi32, #tpu.memory_space<vmem>> -> memref<128xi32, #tpu.memory_space<vmem>>
    %dma_start3A_139 = arith.constant 0 : i32
    %dma_start3A_140 = arith.constant 0 : i32
    %dma_start3A_141 = tpu.memref_slice %arg5[%dma_start3A_139, %dma_start3A_140] : memref<1000000x64xf32, #tpu.memory_space<hbm>> -> memref<1000000x64xf32, #tpu.memory_space<hbm>>
    tpu.enqueue_indirect_dma source(%dma_start3A_141 : memref<1000000x64xf32, #tpu.memory_space<hbm>>) target(%arg14 : memref<128x64xf32, #tpu.memory_space<vmem>>) offsets(%dma_start3A_138 : memref<128xi32, #tpu.memory_space<vmem>>) semaphore(%arg24 : memref<!tpu.dma_semaphore, #tpu.memory_space<semaphore_mem>>)
    %dma_start3A_142 = arith.constant 5 : i32
    %dma_start3A_143 = arith.constant 0 : i32
    %dma_start3A_144 = tpu.memref_slice %arg9[%dma_start3A_142, %dma_start3A_143] : memref<200x128xi32, #tpu.memory_space<vmem>> -> memref<1x128xi32, #tpu.memory_space<vmem>>
    %dma_start3A_145 = tpu.memref_squeeze %dma_start3A_144 : memref<1x128xi32, #tpu.memory_space<vmem>> -> memref<128xi32, #tpu.memory_space<vmem>>
    %dma_start3A_146 = arith.constant 0 : i32
    %dma_start3A_147 = arith.constant 0 : i32
    %dma_start3A_148 = tpu.memref_slice %arg5[%dma_start3A_146, %dma_start3A_147] : memref<1000000x64xf32, #tpu.memory_space<hbm>> -> memref<1000000x64xf32, #tpu.memory_space<hbm>>
    tpu.enqueue_indirect_dma source(%dma_start3A_148 : memref<1000000x64xf32, #tpu.memory_space<hbm>>) target(%arg15 : memref<128x64xf32, #tpu.memory_space<vmem>>) offsets(%dma_start3A_145 : memref<128xi32, #tpu.memory_space<vmem>>) semaphore(%arg25 : memref<!tpu.dma_semaphore, #tpu.memory_space<semaphore_mem>>)
    %dma_start3A_149 = arith.constant 6 : i32
    %dma_start3A_150 = arith.constant 0 : i32
    %dma_start3A_151 = tpu.memref_slice %arg9[%dma_start3A_149, %dma_start3A_150] : memref<200x128xi32, #tpu.memory_space<vmem>> -> memref<1x128xi32, #tpu.memory_space<vmem>>
    %dma_start3A_152 = tpu.memref_squeeze %dma_start3A_151 : memref<1x128xi32, #tpu.memory_space<vmem>> -> memref<128xi32, #tpu.memory_space<vmem>>
    %dma_start3A_153 = arith.constant 0 : i32
    %dma_start3A_154 = arith.constant 0 : i32
    %dma_start3A_155 = tpu.memref_slice %arg5[%dma_start3A_153, %dma_start3A_154] : memref<1000000x64xf32, #tpu.memory_space<hbm>> -> memref<1000000x64xf32, #tpu.memory_space<hbm>>
    tpu.enqueue_indirect_dma source(%dma_start3A_155 : memref<1000000x64xf32, #tpu.memory_space<hbm>>) target(%arg16 : memref<128x64xf32, #tpu.memory_space<vmem>>) offsets(%dma_start3A_152 : memref<128xi32, #tpu.memory_space<vmem>>) semaphore(%arg26 : memref<!tpu.dma_semaphore, #tpu.memory_space<semaphore_mem>>)
    %dma_start3A_156 = arith.constant 7 : i32
    %dma_start3A_157 = arith.constant 0 : i32
    %dma_start3A_158 = tpu.memref_slice %arg9[%dma_start3A_156, %dma_start3A_157] : memref<200x128xi32, #tpu.memory_space<vmem>> -> memref<1x128xi32, #tpu.memory_space<vmem>>
    %dma_start3A_159 = tpu.memref_squeeze %dma_start3A_158 : memref<1x128xi32, #tpu.memory_space<vmem>> -> memref<128xi32, #tpu.memory_space<vmem>>
    %dma_start3A_160 = arith.constant 0 : i32
    %dma_start3A_161 = arith.constant 0 : i32
    %dma_start3A_162 = tpu.memref_slice %arg5[%dma_start3A_160, %dma_start3A_161] : memref<1000000x64xf32, #tpu.memory_space<hbm>> -> memref<1000000x64xf32, #tpu.memory_space<hbm>>
    tpu.enqueue_indirect_dma source(%dma_start3A_162 : memref<1000000x64xf32, #tpu.memory_space<hbm>>) target(%arg17 : memref<128x64xf32, #tpu.memory_space<vmem>>) offsets(%dma_start3A_159 : memref<128xi32, #tpu.memory_space<vmem>>) semaphore(%arg27 : memref<!tpu.dma_semaphore, #tpu.memory_space<semaphore_mem>>)
    %dma_start3A_163 = arith.constant 8 : i32
    %dma_start3A_164 = arith.constant 0 : i32
    %dma_start3A_165 = tpu.memref_slice %arg9[%dma_start3A_163, %dma_start3A_164] : memref<200x128xi32, #tpu.memory_space<vmem>> -> memref<1x128xi32, #tpu.memory_space<vmem>>
    %dma_start3A_166 = tpu.memref_squeeze %dma_start3A_165 : memref<1x128xi32, #tpu.memory_space<vmem>> -> memref<128xi32, #tpu.memory_space<vmem>>
    %dma_start3A_167 = arith.constant 0 : i32
    %dma_start3A_168 = arith.constant 0 : i32
    %dma_start3A_169 = tpu.memref_slice %arg5[%dma_start3A_167, %dma_start3A_168] : memref<1000000x64xf32, #tpu.memory_space<hbm>> -> memref<1000000x64xf32, #tpu.memory_space<hbm>>
    tpu.enqueue_indirect_dma source(%dma_start3A_169 : memref<1000000x64xf32, #tpu.memory_space<hbm>>) target(%arg18 : memref<128x64xf32, #tpu.memory_space<vmem>>) offsets(%dma_start3A_166 : memref<128xi32, #tpu.memory_space<vmem>>) semaphore(%arg28 : memref<!tpu.dma_semaphore, #tpu.memory_space<semaphore_mem>>)
    %dma_start3A_170 = arith.constant 9 : i32
    %dma_start3A_171 = arith.constant 0 : i32
    %dma_start3A_172 = tpu.memref_slice %arg9[%dma_start3A_170, %dma_start3A_171] : memref<200x128xi32, #tpu.memory_space<vmem>> -> memref<1x128xi32, #tpu.memory_space<vmem>>
    %dma_start3A_173 = tpu.memref_squeeze %dma_start3A_172 : memref<1x128xi32, #tpu.memory_space<vmem>> -> memref<128xi32, #tpu.memory_space<vmem>>
    %dma_start3A_174 = arith.constant 0 : i32
    %dma_start3A_175 = arith.constant 0 : i32
    %dma_start3A_176 = tpu.memref_slice %arg5[%dma_start3A_174, %dma_start3A_175] : memref<1000000x64xf32, #tpu.memory_space<hbm>> -> memref<1000000x64xf32, #tpu.memory_space<hbm>>
    tpu.enqueue_indirect_dma source(%dma_start3A_176 : memref<1000000x64xf32, #tpu.memory_space<hbm>>) target(%arg19 : memref<128x64xf32, #tpu.memory_space<vmem>>) offsets(%dma_start3A_173 : memref<128xi32, #tpu.memory_space<vmem>>) semaphore(%arg29 : memref<!tpu.dma_semaphore, #tpu.memory_space<semaphore_mem>>)
    %scan3A = arith.constant 0 : i32
    %scan3A_177 = arith.constant 19 : i32
    %scan3A_178 = arith.addi %scan3A, %scan3A_177 : i32
    %scan3A_179 = arith.constant 1 : i32
    scf.for %scan3A_371 = %scan3A to %scan3A_178 step %scan3A_179  : i32 {
      %mul3A_372 = arith.constant 10 : i32
      %mul3A_373 = arith.muli %scan3A_371, %mul3A_372 : i32
      %add3A_374 = arith.constant 0 : i32
      %add3A_375 = arith.addi %add3A_374, %mul3A_373 : i32
      %add3A_376 = arith.constant 0 : i32
      %add3A_377 = arith.addi %add3A_375, %add3A_376 : i32
      %dma_wait3A_378 = arith.constant 0 : i32
      %dma_wait3A_379 = tpu.memref_slice %arg9[%add3A_377, %dma_wait3A_378] : memref<200x128xi32, #tpu.memory_space<vmem>> -> memref<1x128xi32, #tpu.memory_space<vmem>>
      %dma_wait3A_380 = tpu.memref_squeeze %dma_wait3A_379 : memref<1x128xi32, #tpu.memory_space<vmem>> -> memref<128xi32, #tpu.memory_space<vmem>>
      %dma_wait3A_381 = arith.constant 0 : i32
      %dma_wait3A_382 = arith.constant 0 : i32
      %dma_wait3A_383 = tpu.memref_slice %arg5[%dma_wait3A_381, %dma_wait3A_382] : memref<1000000x64xf32, #tpu.memory_space<hbm>> -> memref<1000000x64xf32, #tpu.memory_space<hbm>>
      tpu.wait_indirect_dma semaphore(%arg20 : memref<!tpu.dma_semaphore, #tpu.memory_space<semaphore_mem>>) src(%dma_wait3A_383 : memref<1000000x64xf32, #tpu.memory_space<hbm>>) dst(%arg10 : memref<128x64xf32, #tpu.memory_space<vmem>>)
      %mul3A_384 = arith.constant 128 : i32
      %mul3A_385 = arith.muli %add3A_377, %mul3A_384 : i32
      %add3A_386 = arith.addi %mul3A_4, %mul3A_385 : i32
      %dma_start3A_387 = arith.constant 0 : i32
      %dma_start3A_388 = tpu.memref_slice %arg7[%add3A_386, %dma_start3A_387] : memref<819200x64xf32, #tpu.memory_space<hbm>> -> memref<128x64xf32, #tpu.memory_space<hbm>>
      %dma_start3A_389 = arith.constant 0 : i32
      %dma_start3A_390 = tpu.memref_slice %arg7[%add3A_386, %dma_start3A_389] : memref<819200x64xf32, #tpu.memory_space<hbm>> -> memref<128x64xf32, #tpu.memory_space<hbm>>
      tpu.enqueue_dma source(%arg10 : memref<128x64xf32, #tpu.memory_space<vmem>>) target(%dma_start3A_390 : memref<128x64xf32, #tpu.memory_space<hbm>>) target_semaphore(%arg30 : memref<!tpu.dma_semaphore, #tpu.memory_space<semaphore_mem>>)
      %add3A_391 = arith.constant 1 : i32
      %add3A_392 = arith.addi %add3A_375, %add3A_391 : i32
      %dma_wait3A_393 = arith.constant 0 : i32
      %dma_wait3A_394 = tpu.memref_slice %arg9[%add3A_392, %dma_wait3A_393] : memref<200x128xi32, #tpu.memory_space<vmem>> -> memref<1x128xi32, #tpu.memory_space<vmem>>
      %dma_wait3A_395 = tpu.memref_squeeze %dma_wait3A_394 : memref<1x128xi32, #tpu.memory_space<vmem>> -> memref<128xi32, #tpu.memory_space<vmem>>
      %dma_wait3A_396 = arith.constant 0 : i32
      %dma_wait3A_397 = arith.constant 0 : i32
      %dma_wait3A_398 = tpu.memref_slice %arg5[%dma_wait3A_396, %dma_wait3A_397] : memref<1000000x64xf32, #tpu.memory_space<hbm>> -> memref<1000000x64xf32, #tpu.memory_space<hbm>>
      tpu.wait_indirect_dma semaphore(%arg21 : memref<!tpu.dma_semaphore, #tpu.memory_space<semaphore_mem>>) src(%dma_wait3A_398 : memref<1000000x64xf32, #tpu.memory_space<hbm>>) dst(%arg11 : memref<128x64xf32, #tpu.memory_space<vmem>>)
      %mul3A_399 = arith.constant 128 : i32
      %mul3A_400 = arith.muli %add3A_392, %mul3A_399 : i32
      %add3A_401 = arith.addi %mul3A_4, %mul3A_400 : i32
      %dma_start3A_402 = arith.constant 0 : i32
      %dma_start3A_403 = tpu.memref_slice %arg7[%add3A_401, %dma_start3A_402] : memref<819200x64xf32, #tpu.memory_space<hbm>> -> memref<128x64xf32, #tpu.memory_space<hbm>>
      %dma_start3A_404 = arith.constant 0 : i32
      %dma_start3A_405 = tpu.memref_slice %arg7[%add3A_401, %dma_start3A_404] : memref<819200x64xf32, #tpu.memory_space<hbm>> -> memref<128x64xf32, #tpu.memory_space<hbm>>
      tpu.enqueue_dma source(%arg11 : memref<128x64xf32, #tpu.memory_space<vmem>>) target(%dma_start3A_405 : memref<128x64xf32, #tpu.memory_space<hbm>>) target_semaphore(%arg31 : memref<!tpu.dma_semaphore, #tpu.memory_space<semaphore_mem>>)
      %add3A_406 = arith.constant 2 : i32
      %add3A_407 = arith.addi %add3A_375, %add3A_406 : i32
      %dma_wait3A_408 = arith.constant 0 : i32
      %dma_wait3A_409 = tpu.memref_slice %arg9[%add3A_407, %dma_wait3A_408] : memref<200x128xi32, #tpu.memory_space<vmem>> -> memref<1x128xi32, #tpu.memory_space<vmem>>
      %dma_wait3A_410 = tpu.memref_squeeze %dma_wait3A_409 : memref<1x128xi32, #tpu.memory_space<vmem>> -> memref<128xi32, #tpu.memory_space<vmem>>
      %dma_wait3A_411 = arith.constant 0 : i32
      %dma_wait3A_412 = arith.constant 0 : i32
      %dma_wait3A_413 = tpu.memref_slice %arg5[%dma_wait3A_411, %dma_wait3A_412] : memref<1000000x64xf32, #tpu.memory_space<hbm>> -> memref<1000000x64xf32, #tpu.memory_space<hbm>>
      tpu.wait_indirect_dma semaphore(%arg22 : memref<!tpu.dma_semaphore, #tpu.memory_space<semaphore_mem>>) src(%dma_wait3A_413 : memref<1000000x64xf32, #tpu.memory_space<hbm>>) dst(%arg12 : memref<128x64xf32, #tpu.memory_space<vmem>>)
      %mul3A_414 = arith.constant 128 : i32
      %mul3A_415 = arith.muli %add3A_407, %mul3A_414 : i32
      %add3A_416 = arith.addi %mul3A_4, %mul3A_415 : i32
      %dma_start3A_417 = arith.constant 0 : i32
      %dma_start3A_418 = tpu.memref_slice %arg7[%add3A_416, %dma_start3A_417] : memref<819200x64xf32, #tpu.memory_space<hbm>> -> memref<128x64xf32, #tpu.memory_space<hbm>>
      %dma_start3A_419 = arith.constant 0 : i32
      %dma_start3A_420 = tpu.memref_slice %arg7[%add3A_416, %dma_start3A_419] : memref<819200x64xf32, #tpu.memory_space<hbm>> -> memref<128x64xf32, #tpu.memory_space<hbm>>
      tpu.enqueue_dma source(%arg12 : memref<128x64xf32, #tpu.memory_space<vmem>>) target(%dma_start3A_420 : memref<128x64xf32, #tpu.memory_space<hbm>>) target_semaphore(%arg32 : memref<!tpu.dma_semaphore, #tpu.memory_space<semaphore_mem>>)
      %add3A_421 = arith.constant 3 : i32
      %add3A_422 = arith.addi %add3A_375, %add3A_421 : i32
      %dma_wait3A_423 = arith.constant 0 : i32
      %dma_wait3A_424 = tpu.memref_slice %arg9[%add3A_422, %dma_wait3A_423] : memref<200x128xi32, #tpu.memory_space<vmem>> -> memref<1x128xi32, #tpu.memory_space<vmem>>
      %dma_wait3A_425 = tpu.memref_squeeze %dma_wait3A_424 : memref<1x128xi32, #tpu.memory_space<vmem>> -> memref<128xi32, #tpu.memory_space<vmem>>
      %dma_wait3A_426 = arith.constant 0 : i32
      %dma_wait3A_427 = arith.constant 0 : i32
      %dma_wait3A_428 = tpu.memref_slice %arg5[%dma_wait3A_426, %dma_wait3A_427] : memref<1000000x64xf32, #tpu.memory_space<hbm>> -> memref<1000000x64xf32, #tpu.memory_space<hbm>>
      tpu.wait_indirect_dma semaphore(%arg23 : memref<!tpu.dma_semaphore, #tpu.memory_space<semaphore_mem>>) src(%dma_wait3A_428 : memref<1000000x64xf32, #tpu.memory_space<hbm>>) dst(%arg13 : memref<128x64xf32, #tpu.memory_space<vmem>>)
      %mul3A_429 = arith.constant 128 : i32
      %mul3A_430 = arith.muli %add3A_422, %mul3A_429 : i32
      %add3A_431 = arith.addi %mul3A_4, %mul3A_430 : i32
      %dma_start3A_432 = arith.constant 0 : i32
      %dma_start3A_433 = tpu.memref_slice %arg7[%add3A_431, %dma_start3A_432] : memref<819200x64xf32, #tpu.memory_space<hbm>> -> memref<128x64xf32, #tpu.memory_space<hbm>>
      %dma_start3A_434 = arith.constant 0 : i32
      %dma_start3A_435 = tpu.memref_slice %arg7[%add3A_431, %dma_start3A_434] : memref<819200x64xf32, #tpu.memory_space<hbm>> -> memref<128x64xf32, #tpu.memory_space<hbm>>
      tpu.enqueue_dma source(%arg13 : memref<128x64xf32, #tpu.memory_space<vmem>>) target(%dma_start3A_435 : memref<128x64xf32, #tpu.memory_space<hbm>>) target_semaphore(%arg33 : memref<!tpu.dma_semaphore, #tpu.memory_space<semaphore_mem>>)
      %add3A_436 = arith.constant 4 : i32
      %add3A_437 = arith.addi %add3A_375, %add3A_436 : i32
      %dma_wait3A_438 = arith.constant 0 : i32
      %dma_wait3A_439 = tpu.memref_slice %arg9[%add3A_437, %dma_wait3A_438] : memref<200x128xi32, #tpu.memory_space<vmem>> -> memref<1x128xi32, #tpu.memory_space<vmem>>
      %dma_wait3A_440 = tpu.memref_squeeze %dma_wait3A_439 : memref<1x128xi32, #tpu.memory_space<vmem>> -> memref<128xi32, #tpu.memory_space<vmem>>
      %dma_wait3A_441 = arith.constant 0 : i32
      %dma_wait3A_442 = arith.constant 0 : i32
      %dma_wait3A_443 = tpu.memref_slice %arg5[%dma_wait3A_441, %dma_wait3A_442] : memref<1000000x64xf32, #tpu.memory_space<hbm>> -> memref<1000000x64xf32, #tpu.memory_space<hbm>>
      tpu.wait_indirect_dma semaphore(%arg24 : memref<!tpu.dma_semaphore, #tpu.memory_space<semaphore_mem>>) src(%dma_wait3A_443 : memref<1000000x64xf32, #tpu.memory_space<hbm>>) dst(%arg14 : memref<128x64xf32, #tpu.memory_space<vmem>>)
      %mul3A_444 = arith.constant 128 : i32
      %mul3A_445 = arith.muli %add3A_437, %mul3A_444 : i32
      %add3A_446 = arith.addi %mul3A_4, %mul3A_445 : i32
      %dma_start3A_447 = arith.constant 0 : i32
      %dma_start3A_448 = tpu.memref_slice %arg7[%add3A_446, %dma_start3A_447] : memref<819200x64xf32, #tpu.memory_space<hbm>> -> memref<128x64xf32, #tpu.memory_space<hbm>>
      %dma_start3A_449 = arith.constant 0 : i32
      %dma_start3A_450 = tpu.memref_slice %arg7[%add3A_446, %dma_start3A_449] : memref<819200x64xf32, #tpu.memory_space<hbm>> -> memref<128x64xf32, #tpu.memory_space<hbm>>
      tpu.enqueue_dma source(%arg14 : memref<128x64xf32, #tpu.memory_space<vmem>>) target(%dma_start3A_450 : memref<128x64xf32, #tpu.memory_space<hbm>>) target_semaphore(%arg34 : memref<!tpu.dma_semaphore, #tpu.memory_space<semaphore_mem>>)
      %add3A_451 = arith.constant 5 : i32
      %add3A_452 = arith.addi %add3A_375, %add3A_451 : i32
      %dma_wait3A_453 = arith.constant 0 : i32
      %dma_wait3A_454 = tpu.memref_slice %arg9[%add3A_452, %dma_wait3A_453] : memref<200x128xi32, #tpu.memory_space<vmem>> -> memref<1x128xi32, #tpu.memory_space<vmem>>
      %dma_wait3A_455 = tpu.memref_squeeze %dma_wait3A_454 : memref<1x128xi32, #tpu.memory_space<vmem>> -> memref<128xi32, #tpu.memory_space<vmem>>
      %dma_wait3A_456 = arith.constant 0 : i32
      %dma_wait3A_457 = arith.constant 0 : i32
      %dma_wait3A_458 = tpu.memref_slice %arg5[%dma_wait3A_456, %dma_wait3A_457] : memref<1000000x64xf32, #tpu.memory_space<hbm>> -> memref<1000000x64xf32, #tpu.memory_space<hbm>>
      tpu.wait_indirect_dma semaphore(%arg25 : memref<!tpu.dma_semaphore, #tpu.memory_space<semaphore_mem>>) src(%dma_wait3A_458 : memref<1000000x64xf32, #tpu.memory_space<hbm>>) dst(%arg15 : memref<128x64xf32, #tpu.memory_space<vmem>>)
      %mul3A_459 = arith.constant 128 : i32
      %mul3A_460 = arith.muli %add3A_452, %mul3A_459 : i32
      %add3A_461 = arith.addi %mul3A_4, %mul3A_460 : i32
      %dma_start3A_462 = arith.constant 0 : i32
      %dma_start3A_463 = tpu.memref_slice %arg7[%add3A_461, %dma_start3A_462] : memref<819200x64xf32, #tpu.memory_space<hbm>> -> memref<128x64xf32, #tpu.memory_space<hbm>>
      %dma_start3A_464 = arith.constant 0 : i32
      %dma_start3A_465 = tpu.memref_slice %arg7[%add3A_461, %dma_start3A_464] : memref<819200x64xf32, #tpu.memory_space<hbm>> -> memref<128x64xf32, #tpu.memory_space<hbm>>
      tpu.enqueue_dma source(%arg15 : memref<128x64xf32, #tpu.memory_space<vmem>>) target(%dma_start3A_465 : memref<128x64xf32, #tpu.memory_space<hbm>>) target_semaphore(%arg35 : memref<!tpu.dma_semaphore, #tpu.memory_space<semaphore_mem>>)
      %add3A_466 = arith.constant 6 : i32
      %add3A_467 = arith.addi %add3A_375, %add3A_466 : i32
      %dma_wait3A_468 = arith.constant 0 : i32
      %dma_wait3A_469 = tpu.memref_slice %arg9[%add3A_467, %dma_wait3A_468] : memref<200x128xi32, #tpu.memory_space<vmem>> -> memref<1x128xi32, #tpu.memory_space<vmem>>
      %dma_wait3A_470 = tpu.memref_squeeze %dma_wait3A_469 : memref<1x128xi32, #tpu.memory_space<vmem>> -> memref<128xi32, #tpu.memory_space<vmem>>
      %dma_wait3A_471 = arith.constant 0 : i32
      %dma_wait3A_472 = arith.constant 0 : i32
      %dma_wait3A_473 = tpu.memref_slice %arg5[%dma_wait3A_471, %dma_wait3A_472] : memref<1000000x64xf32, #tpu.memory_space<hbm>> -> memref<1000000x64xf32, #tpu.memory_space<hbm>>
      tpu.wait_indirect_dma semaphore(%arg26 : memref<!tpu.dma_semaphore, #tpu.memory_space<semaphore_mem>>) src(%dma_wait3A_473 : memref<1000000x64xf32, #tpu.memory_space<hbm>>) dst(%arg16 : memref<128x64xf32, #tpu.memory_space<vmem>>)
      %mul3A_474 = arith.constant 128 : i32
      %mul3A_475 = arith.muli %add3A_467, %mul3A_474 : i32
      %add3A_476 = arith.addi %mul3A_4, %mul3A_475 : i32
      %dma_start3A_477 = arith.constant 0 : i32
      %dma_start3A_478 = tpu.memref_slice %arg7[%add3A_476, %dma_start3A_477] : memref<819200x64xf32, #tpu.memory_space<hbm>> -> memref<128x64xf32, #tpu.memory_space<hbm>>
      %dma_start3A_479 = arith.constant 0 : i32
      %dma_start3A_480 = tpu.memref_slice %arg7[%add3A_476, %dma_start3A_479] : memref<819200x64xf32, #tpu.memory_space<hbm>> -> memref<128x64xf32, #tpu.memory_space<hbm>>
      tpu.enqueue_dma source(%arg16 : memref<128x64xf32, #tpu.memory_space<vmem>>) target(%dma_start3A_480 : memref<128x64xf32, #tpu.memory_space<hbm>>) target_semaphore(%arg36 : memref<!tpu.dma_semaphore, #tpu.memory_space<semaphore_mem>>)
      %add3A_481 = arith.constant 7 : i32
      %add3A_482 = arith.addi %add3A_375, %add3A_481 : i32
      %dma_wait3A_483 = arith.constant 0 : i32
      %dma_wait3A_484 = tpu.memref_slice %arg9[%add3A_482, %dma_wait3A_483] : memref<200x128xi32, #tpu.memory_space<vmem>> -> memref<1x128xi32, #tpu.memory_space<vmem>>
      %dma_wait3A_485 = tpu.memref_squeeze %dma_wait3A_484 : memref<1x128xi32, #tpu.memory_space<vmem>> -> memref<128xi32, #tpu.memory_space<vmem>>
      %dma_wait3A_486 = arith.constant 0 : i32
      %dma_wait3A_487 = arith.constant 0 : i32
      %dma_wait3A_488 = tpu.memref_slice %arg5[%dma_wait3A_486, %dma_wait3A_487] : memref<1000000x64xf32, #tpu.memory_space<hbm>> -> memref<1000000x64xf32, #tpu.memory_space<hbm>>
      tpu.wait_indirect_dma semaphore(%arg27 : memref<!tpu.dma_semaphore, #tpu.memory_space<semaphore_mem>>) src(%dma_wait3A_488 : memref<1000000x64xf32, #tpu.memory_space<hbm>>) dst(%arg17 : memref<128x64xf32, #tpu.memory_space<vmem>>)
      %mul3A_489 = arith.constant 128 : i32
      %mul3A_490 = arith.muli %add3A_482, %mul3A_489 : i32
      %add3A_491 = arith.addi %mul3A_4, %mul3A_490 : i32
      %dma_start3A_492 = arith.constant 0 : i32
      %dma_start3A_493 = tpu.memref_slice %arg7[%add3A_491, %dma_start3A_492] : memref<819200x64xf32, #tpu.memory_space<hbm>> -> memref<128x64xf32, #tpu.memory_space<hbm>>
      %dma_start3A_494 = arith.constant 0 : i32
      %dma_start3A_495 = tpu.memref_slice %arg7[%add3A_491, %dma_start3A_494] : memref<819200x64xf32, #tpu.memory_space<hbm>> -> memref<128x64xf32, #tpu.memory_space<hbm>>
      tpu.enqueue_dma source(%arg17 : memref<128x64xf32, #tpu.memory_space<vmem>>) target(%dma_start3A_495 : memref<128x64xf32, #tpu.memory_space<hbm>>) target_semaphore(%arg37 : memref<!tpu.dma_semaphore, #tpu.memory_space<semaphore_mem>>)
      %add3A_496 = arith.constant 8 : i32
      %add3A_497 = arith.addi %add3A_375, %add3A_496 : i32
      %dma_wait3A_498 = arith.constant 0 : i32
      %dma_wait3A_499 = tpu.memref_slice %arg9[%add3A_497, %dma_wait3A_498] : memref<200x128xi32, #tpu.memory_space<vmem>> -> memref<1x128xi32, #tpu.memory_space<vmem>>
      %dma_wait3A_500 = tpu.memref_squeeze %dma_wait3A_499 : memref<1x128xi32, #tpu.memory_space<vmem>> -> memref<128xi32, #tpu.memory_space<vmem>>
      %dma_wait3A_501 = arith.constant 0 : i32
      %dma_wait3A_502 = arith.constant 0 : i32
      %dma_wait3A_503 = tpu.memref_slice %arg5[%dma_wait3A_501, %dma_wait3A_502] : memref<1000000x64xf32, #tpu.memory_space<hbm>> -> memref<1000000x64xf32, #tpu.memory_space<hbm>>
      tpu.wait_indirect_dma semaphore(%arg28 : memref<!tpu.dma_semaphore, #tpu.memory_space<semaphore_mem>>) src(%dma_wait3A_503 : memref<1000000x64xf32, #tpu.memory_space<hbm>>) dst(%arg18 : memref<128x64xf32, #tpu.memory_space<vmem>>)
      %mul3A_504 = arith.constant 128 : i32
      %mul3A_505 = arith.muli %add3A_497, %mul3A_504 : i32
      %add3A_506 = arith.addi %mul3A_4, %mul3A_505 : i32
      %dma_start3A_507 = arith.constant 0 : i32
      %dma_start3A_508 = tpu.memref_slice %arg7[%add3A_506, %dma_start3A_507] : memref<819200x64xf32, #tpu.memory_space<hbm>> -> memref<128x64xf32, #tpu.memory_space<hbm>>
      %dma_start3A_509 = arith.constant 0 : i32
      %dma_start3A_510 = tpu.memref_slice %arg7[%add3A_506, %dma_start3A_509] : memref<819200x64xf32, #tpu.memory_space<hbm>> -> memref<128x64xf32, #tpu.memory_space<hbm>>
      tpu.enqueue_dma source(%arg18 : memref<128x64xf32, #tpu.memory_space<vmem>>) target(%dma_start3A_510 : memref<128x64xf32, #tpu.memory_space<hbm>>) target_semaphore(%arg38 : memref<!tpu.dma_semaphore, #tpu.memory_space<semaphore_mem>>)
      %add3A_511 = arith.constant 9 : i32
      %add3A_512 = arith.addi %add3A_375, %add3A_511 : i32
      %dma_wait3A_513 = arith.constant 0 : i32
      %dma_wait3A_514 = tpu.memref_slice %arg9[%add3A_512, %dma_wait3A_513] : memref<200x128xi32, #tpu.memory_space<vmem>> -> memref<1x128xi32, #tpu.memory_space<vmem>>
      %dma_wait3A_515 = tpu.memref_squeeze %dma_wait3A_514 : memref<1x128xi32, #tpu.memory_space<vmem>> -> memref<128xi32, #tpu.memory_space<vmem>>
      %dma_wait3A_516 = arith.constant 0 : i32
      %dma_wait3A_517 = arith.constant 0 : i32
      %dma_wait3A_518 = tpu.memref_slice %arg5[%dma_wait3A_516, %dma_wait3A_517] : memref<1000000x64xf32, #tpu.memory_space<hbm>> -> memref<1000000x64xf32, #tpu.memory_space<hbm>>
      tpu.wait_indirect_dma semaphore(%arg29 : memref<!tpu.dma_semaphore, #tpu.memory_space<semaphore_mem>>) src(%dma_wait3A_518 : memref<1000000x64xf32, #tpu.memory_space<hbm>>) dst(%arg19 : memref<128x64xf32, #tpu.memory_space<vmem>>)
      %mul3A_519 = arith.constant 128 : i32
      %mul3A_520 = arith.muli %add3A_512, %mul3A_519 : i32
      %add3A_521 = arith.addi %mul3A_4, %mul3A_520 : i32
      %dma_start3A_522 = arith.constant 0 : i32
      %dma_start3A_523 = tpu.memref_slice %arg7[%add3A_521, %dma_start3A_522] : memref<819200x64xf32, #tpu.memory_space<hbm>> -> memref<128x64xf32, #tpu.memory_space<hbm>>
      %dma_start3A_524 = arith.constant 0 : i32
      %dma_start3A_525 = tpu.memref_slice %arg7[%add3A_521, %dma_start3A_524] : memref<819200x64xf32, #tpu.memory_space<hbm>> -> memref<128x64xf32, #tpu.memory_space<hbm>>
      tpu.enqueue_dma source(%arg19 : memref<128x64xf32, #tpu.memory_space<vmem>>) target(%dma_start3A_525 : memref<128x64xf32, #tpu.memory_space<hbm>>) target_semaphore(%arg39 : memref<!tpu.dma_semaphore, #tpu.memory_space<semaphore_mem>>)
      %add3A_526 = arith.constant 0 : i32
      %add3A_527 = arith.addi %add3A_375, %add3A_526 : i32
      %mul3A_528 = arith.constant 128 : i32
      %mul3A_529 = arith.muli %add3A_527, %mul3A_528 : i32
      %add3A_530 = arith.addi %mul3A_4, %mul3A_529 : i32
      %dma_wait3A_531 = arith.constant 0 : i32
      %dma_wait3A_532 = tpu.memref_slice %arg7[%add3A_530, %dma_wait3A_531] : memref<819200x64xf32, #tpu.memory_space<hbm>> -> memref<128x64xf32, #tpu.memory_space<hbm>>
      %dma_wait3A_533 = arith.constant 0 : i32
      %dma_wait3A_534 = tpu.memref_slice %arg7[%add3A_530, %dma_wait3A_533] : memref<819200x64xf32, #tpu.memory_space<hbm>> -> memref<128x64xf32, #tpu.memory_space<hbm>>
      tpu.wait_dma2 semaphore(%arg30 : memref<!tpu.dma_semaphore, #tpu.memory_space<semaphore_mem>>) src(%arg10 : memref<128x64xf32, #tpu.memory_space<vmem>>) dst(%dma_wait3A_534 : memref<128x64xf32, #tpu.memory_space<hbm>>)
      %add3A_535 = arith.constant 10 : i32
      %add3A_536 = arith.addi %add3A_527, %add3A_535 : i32
      %dma_start3A_537 = arith.constant 0 : i32
      %dma_start3A_538 = tpu.memref_slice %arg9[%add3A_536, %dma_start3A_537] : memref<200x128xi32, #tpu.memory_space<vmem>> -> memref<1x128xi32, #tpu.memory_space<vmem>>
      %dma_start3A_539 = tpu.memref_squeeze %dma_start3A_538 : memref<1x128xi32, #tpu.memory_space<vmem>> -> memref<128xi32, #tpu.memory_space<vmem>>
      %dma_start3A_540 = arith.constant 0 : i32
      %dma_start3A_541 = arith.constant 0 : i32
      %dma_start3A_542 = tpu.memref_slice %arg5[%dma_start3A_540, %dma_start3A_541] : memref<1000000x64xf32, #tpu.memory_space<hbm>> -> memref<1000000x64xf32, #tpu.memory_space<hbm>>
      tpu.enqueue_indirect_dma source(%dma_start3A_542 : memref<1000000x64xf32, #tpu.memory_space<hbm>>) target(%arg10 : memref<128x64xf32, #tpu.memory_space<vmem>>) offsets(%dma_start3A_539 : memref<128xi32, #tpu.memory_space<vmem>>) semaphore(%arg20 : memref<!tpu.dma_semaphore, #tpu.memory_space<semaphore_mem>>)
      %add3A_543 = arith.constant 1 : i32
      %add3A_544 = arith.addi %add3A_375, %add3A_543 : i32
      %mul3A_545 = arith.constant 128 : i32
      %mul3A_546 = arith.muli %add3A_544, %mul3A_545 : i32
      %add3A_547 = arith.addi %mul3A_4, %mul3A_546 : i32
      %dma_wait3A_548 = arith.constant 0 : i32
      %dma_wait3A_549 = tpu.memref_slice %arg7[%add3A_547, %dma_wait3A_548] : memref<819200x64xf32, #tpu.memory_space<hbm>> -> memref<128x64xf32, #tpu.memory_space<hbm>>
      %dma_wait3A_550 = arith.constant 0 : i32
      %dma_wait3A_551 = tpu.memref_slice %arg7[%add3A_547, %dma_wait3A_550] : memref<819200x64xf32, #tpu.memory_space<hbm>> -> memref<128x64xf32, #tpu.memory_space<hbm>>
      tpu.wait_dma2 semaphore(%arg31 : memref<!tpu.dma_semaphore, #tpu.memory_space<semaphore_mem>>) src(%arg11 : memref<128x64xf32, #tpu.memory_space<vmem>>) dst(%dma_wait3A_551 : memref<128x64xf32, #tpu.memory_space<hbm>>)
      %add3A_552 = arith.constant 10 : i32
      %add3A_553 = arith.addi %add3A_544, %add3A_552 : i32
      %dma_start3A_554 = arith.constant 0 : i32
      %dma_start3A_555 = tpu.memref_slice %arg9[%add3A_553, %dma_start3A_554] : memref<200x128xi32, #tpu.memory_space<vmem>> -> memref<1x128xi32, #tpu.memory_space<vmem>>
      %dma_start3A_556 = tpu.memref_squeeze %dma_start3A_555 : memref<1x128xi32, #tpu.memory_space<vmem>> -> memref<128xi32, #tpu.memory_space<vmem>>
      %dma_start3A_557 = arith.constant 0 : i32
      %dma_start3A_558 = arith.constant 0 : i32
      %dma_start3A_559 = tpu.memref_slice %arg5[%dma_start3A_557, %dma_start3A_558] : memref<1000000x64xf32, #tpu.memory_space<hbm>> -> memref<1000000x64xf32, #tpu.memory_space<hbm>>
      tpu.enqueue_indirect_dma source(%dma_start3A_559 : memref<1000000x64xf32, #tpu.memory_space<hbm>>) target(%arg11 : memref<128x64xf32, #tpu.memory_space<vmem>>) offsets(%dma_start3A_556 : memref<128xi32, #tpu.memory_space<vmem>>) semaphore(%arg21 : memref<!tpu.dma_semaphore, #tpu.memory_space<semaphore_mem>>)
      %add3A_560 = arith.constant 2 : i32
      %add3A_561 = arith.addi %add3A_375, %add3A_560 : i32
      %mul3A_562 = arith.constant 128 : i32
      %mul3A_563 = arith.muli %add3A_561, %mul3A_562 : i32
      %add3A_564 = arith.addi %mul3A_4, %mul3A_563 : i32
      %dma_wait3A_565 = arith.constant 0 : i32
      %dma_wait3A_566 = tpu.memref_slice %arg7[%add3A_564, %dma_wait3A_565] : memref<819200x64xf32, #tpu.memory_space<hbm>> -> memref<128x64xf32, #tpu.memory_space<hbm>>
      %dma_wait3A_567 = arith.constant 0 : i32
      %dma_wait3A_568 = tpu.memref_slice %arg7[%add3A_564, %dma_wait3A_567] : memref<819200x64xf32, #tpu.memory_space<hbm>> -> memref<128x64xf32, #tpu.memory_space<hbm>>
      tpu.wait_dma2 semaphore(%arg32 : memref<!tpu.dma_semaphore, #tpu.memory_space<semaphore_mem>>) src(%arg12 : memref<128x64xf32, #tpu.memory_space<vmem>>) dst(%dma_wait3A_568 : memref<128x64xf32, #tpu.memory_space<hbm>>)
      %add3A_569 = arith.constant 10 : i32
      %add3A_570 = arith.addi %add3A_561, %add3A_569 : i32
      %dma_start3A_571 = arith.constant 0 : i32
      %dma_start3A_572 = tpu.memref_slice %arg9[%add3A_570, %dma_start3A_571] : memref<200x128xi32, #tpu.memory_space<vmem>> -> memref<1x128xi32, #tpu.memory_space<vmem>>
      %dma_start3A_573 = tpu.memref_squeeze %dma_start3A_572 : memref<1x128xi32, #tpu.memory_space<vmem>> -> memref<128xi32, #tpu.memory_space<vmem>>
      %dma_start3A_574 = arith.constant 0 : i32
      %dma_start3A_575 = arith.constant 0 : i32
      %dma_start3A_576 = tpu.memref_slice %arg5[%dma_start3A_574, %dma_start3A_575] : memref<1000000x64xf32, #tpu.memory_space<hbm>> -> memref<1000000x64xf32, #tpu.memory_space<hbm>>
      tpu.enqueue_indirect_dma source(%dma_start3A_576 : memref<1000000x64xf32, #tpu.memory_space<hbm>>) target(%arg12 : memref<128x64xf32, #tpu.memory_space<vmem>>) offsets(%dma_start3A_573 : memref<128xi32, #tpu.memory_space<vmem>>) semaphore(%arg22 : memref<!tpu.dma_semaphore, #tpu.memory_space<semaphore_mem>>)
      %add3A_577 = arith.constant 3 : i32
      %add3A_578 = arith.addi %add3A_375, %add3A_577 : i32
      %mul3A_579 = arith.constant 128 : i32
      %mul3A_580 = arith.muli %add3A_578, %mul3A_579 : i32
      %add3A_581 = arith.addi %mul3A_4, %mul3A_580 : i32
      %dma_wait3A_582 = arith.constant 0 : i32
      %dma_wait3A_583 = tpu.memref_slice %arg7[%add3A_581, %dma_wait3A_582] : memref<819200x64xf32, #tpu.memory_space<hbm>> -> memref<128x64xf32, #tpu.memory_space<hbm>>
      %dma_wait3A_584 = arith.constant 0 : i32
      %dma_wait3A_585 = tpu.memref_slice %arg7[%add3A_581, %dma_wait3A_584] : memref<819200x64xf32, #tpu.memory_space<hbm>> -> memref<128x64xf32, #tpu.memory_space<hbm>>
      tpu.wait_dma2 semaphore(%arg33 : memref<!tpu.dma_semaphore, #tpu.memory_space<semaphore_mem>>) src(%arg13 : memref<128x64xf32, #tpu.memory_space<vmem>>) dst(%dma_wait3A_585 : memref<128x64xf32, #tpu.memory_space<hbm>>)
      %add3A_586 = arith.constant 10 : i32
      %add3A_587 = arith.addi %add3A_578, %add3A_586 : i32
      %dma_start3A_588 = arith.constant 0 : i32
      %dma_start3A_589 = tpu.memref_slice %arg9[%add3A_587, %dma_start3A_588] : memref<200x128xi32, #tpu.memory_space<vmem>> -> memref<1x128xi32, #tpu.memory_space<vmem>>
      %dma_start3A_590 = tpu.memref_squeeze %dma_start3A_589 : memref<1x128xi32, #tpu.memory_space<vmem>> -> memref<128xi32, #tpu.memory_space<vmem>>
      %dma_start3A_591 = arith.constant 0 : i32
      %dma_start3A_592 = arith.constant 0 : i32
      %dma_start3A_593 = tpu.memref_slice %arg5[%dma_start3A_591, %dma_start3A_592] : memref<1000000x64xf32, #tpu.memory_space<hbm>> -> memref<1000000x64xf32, #tpu.memory_space<hbm>>
      tpu.enqueue_indirect_dma source(%dma_start3A_593 : memref<1000000x64xf32, #tpu.memory_space<hbm>>) target(%arg13 : memref<128x64xf32, #tpu.memory_space<vmem>>) offsets(%dma_start3A_590 : memref<128xi32, #tpu.memory_space<vmem>>) semaphore(%arg23 : memref<!tpu.dma_semaphore, #tpu.memory_space<semaphore_mem>>)
      %add3A_594 = arith.constant 4 : i32
      %add3A_595 = arith.addi %add3A_375, %add3A_594 : i32
      %mul3A_596 = arith.constant 128 : i32
      %mul3A_597 = arith.muli %add3A_595, %mul3A_596 : i32
      %add3A_598 = arith.addi %mul3A_4, %mul3A_597 : i32
      %dma_wait3A_599 = arith.constant 0 : i32
      %dma_wait3A_600 = tpu.memref_slice %arg7[%add3A_598, %dma_wait3A_599] : memref<819200x64xf32, #tpu.memory_space<hbm>> -> memref<128x64xf32, #tpu.memory_space<hbm>>
      %dma_wait3A_601 = arith.constant 0 : i32
      %dma_wait3A_602 = tpu.memref_slice %arg7[%add3A_598, %dma_wait3A_601] : memref<819200x64xf32, #tpu.memory_space<hbm>> -> memref<128x64xf32, #tpu.memory_space<hbm>>
      tpu.wait_dma2 semaphore(%arg34 : memref<!tpu.dma_semaphore, #tpu.memory_space<semaphore_mem>>) src(%arg14 : memref<128x64xf32, #tpu.memory_space<vmem>>) dst(%dma_wait3A_602 : memref<128x64xf32, #tpu.memory_space<hbm>>)
      %add3A_603 = arith.constant 10 : i32
      %add3A_604 = arith.addi %add3A_595, %add3A_603 : i32
      %dma_start3A_605 = arith.constant 0 : i32
      %dma_start3A_606 = tpu.memref_slice %arg9[%add3A_604, %dma_start3A_605] : memref<200x128xi32, #tpu.memory_space<vmem>> -> memref<1x128xi32, #tpu.memory_space<vmem>>
      %dma_start3A_607 = tpu.memref_squeeze %dma_start3A_606 : memref<1x128xi32, #tpu.memory_space<vmem>> -> memref<128xi32, #tpu.memory_space<vmem>>
      %dma_start3A_608 = arith.constant 0 : i32
      %dma_start3A_609 = arith.constant 0 : i32
      %dma_start3A_610 = tpu.memref_slice %arg5[%dma_start3A_608, %dma_start3A_609] : memref<1000000x64xf32, #tpu.memory_space<hbm>> -> memref<1000000x64xf32, #tpu.memory_space<hbm>>
      tpu.enqueue_indirect_dma source(%dma_start3A_610 : memref<1000000x64xf32, #tpu.memory_space<hbm>>) target(%arg14 : memref<128x64xf32, #tpu.memory_space<vmem>>) offsets(%dma_start3A_607 : memref<128xi32, #tpu.memory_space<vmem>>) semaphore(%arg24 : memref<!tpu.dma_semaphore, #tpu.memory_space<semaphore_mem>>)
      %add3A_611 = arith.constant 5 : i32
      %add3A_612 = arith.addi %add3A_375, %add3A_611 : i32
      %mul3A_613 = arith.constant 128 : i32
      %mul3A_614 = arith.muli %add3A_612, %mul3A_613 : i32
      %add3A_615 = arith.addi %mul3A_4, %mul3A_614 : i32
      %dma_wait3A_616 = arith.constant 0 : i32
      %dma_wait3A_617 = tpu.memref_slice %arg7[%add3A_615, %dma_wait3A_616] : memref<819200x64xf32, #tpu.memory_space<hbm>> -> memref<128x64xf32, #tpu.memory_space<hbm>>
      %dma_wait3A_618 = arith.constant 0 : i32
      %dma_wait3A_619 = tpu.memref_slice %arg7[%add3A_615, %dma_wait3A_618] : memref<819200x64xf32, #tpu.memory_space<hbm>> -> memref<128x64xf32, #tpu.memory_space<hbm>>
      tpu.wait_dma2 semaphore(%arg35 : memref<!tpu.dma_semaphore, #tpu.memory_space<semaphore_mem>>) src(%arg15 : memref<128x64xf32, #tpu.memory_space<vmem>>) dst(%dma_wait3A_619 : memref<128x64xf32, #tpu.memory_space<hbm>>)
      %add3A_620 = arith.constant 10 : i32
      %add3A_621 = arith.addi %add3A_612, %add3A_620 : i32
      %dma_start3A_622 = arith.constant 0 : i32
      %dma_start3A_623 = tpu.memref_slice %arg9[%add3A_621, %dma_start3A_622] : memref<200x128xi32, #tpu.memory_space<vmem>> -> memref<1x128xi32, #tpu.memory_space<vmem>>
      %dma_start3A_624 = tpu.memref_squeeze %dma_start3A_623 : memref<1x128xi32, #tpu.memory_space<vmem>> -> memref<128xi32, #tpu.memory_space<vmem>>
      %dma_start3A_625 = arith.constant 0 : i32
      %dma_start3A_626 = arith.constant 0 : i32
      %dma_start3A_627 = tpu.memref_slice %arg5[%dma_start3A_625, %dma_start3A_626] : memref<1000000x64xf32, #tpu.memory_space<hbm>> -> memref<1000000x64xf32, #tpu.memory_space<hbm>>
      tpu.enqueue_indirect_dma source(%dma_start3A_627 : memref<1000000x64xf32, #tpu.memory_space<hbm>>) target(%arg15 : memref<128x64xf32, #tpu.memory_space<vmem>>) offsets(%dma_start3A_624 : memref<128xi32, #tpu.memory_space<vmem>>) semaphore(%arg25 : memref<!tpu.dma_semaphore, #tpu.memory_space<semaphore_mem>>)
      %add3A_628 = arith.constant 6 : i32
      %add3A_629 = arith.addi %add3A_375, %add3A_628 : i32
      %mul3A_630 = arith.constant 128 : i32
      %mul3A_631 = arith.muli %add3A_629, %mul3A_630 : i32
      %add3A_632 = arith.addi %mul3A_4, %mul3A_631 : i32
      %dma_wait3A_633 = arith.constant 0 : i32
      %dma_wait3A_634 = tpu.memref_slice %arg7[%add3A_632, %dma_wait3A_633] : memref<819200x64xf32, #tpu.memory_space<hbm>> -> memref<128x64xf32, #tpu.memory_space<hbm>>
      %dma_wait3A_635 = arith.constant 0 : i32
      %dma_wait3A_636 = tpu.memref_slice %arg7[%add3A_632, %dma_wait3A_635] : memref<819200x64xf32, #tpu.memory_space<hbm>> -> memref<128x64xf32, #tpu.memory_space<hbm>>
      tpu.wait_dma2 semaphore(%arg36 : memref<!tpu.dma_semaphore, #tpu.memory_space<semaphore_mem>>) src(%arg16 : memref<128x64xf32, #tpu.memory_space<vmem>>) dst(%dma_wait3A_636 : memref<128x64xf32, #tpu.memory_space<hbm>>)
      %add3A_637 = arith.constant 10 : i32
      %add3A_638 = arith.addi %add3A_629, %add3A_637 : i32
      %dma_start3A_639 = arith.constant 0 : i32
      %dma_start3A_640 = tpu.memref_slice %arg9[%add3A_638, %dma_start3A_639] : memref<200x128xi32, #tpu.memory_space<vmem>> -> memref<1x128xi32, #tpu.memory_space<vmem>>
      %dma_start3A_641 = tpu.memref_squeeze %dma_start3A_640 : memref<1x128xi32, #tpu.memory_space<vmem>> -> memref<128xi32, #tpu.memory_space<vmem>>
      %dma_start3A_642 = arith.constant 0 : i32
      %dma_start3A_643 = arith.constant 0 : i32
      %dma_start3A_644 = tpu.memref_slice %arg5[%dma_start3A_642, %dma_start3A_643] : memref<1000000x64xf32, #tpu.memory_space<hbm>> -> memref<1000000x64xf32, #tpu.memory_space<hbm>>
      tpu.enqueue_indirect_dma source(%dma_start3A_644 : memref<1000000x64xf32, #tpu.memory_space<hbm>>) target(%arg16 : memref<128x64xf32, #tpu.memory_space<vmem>>) offsets(%dma_start3A_641 : memref<128xi32, #tpu.memory_space<vmem>>) semaphore(%arg26 : memref<!tpu.dma_semaphore, #tpu.memory_space<semaphore_mem>>)
      %add3A_645 = arith.constant 7 : i32
      %add3A_646 = arith.addi %add3A_375, %add3A_645 : i32
      %mul3A_647 = arith.constant 128 : i32
      %mul3A_648 = arith.muli %add3A_646, %mul3A_647 : i32
      %add3A_649 = arith.addi %mul3A_4, %mul3A_648 : i32
      %dma_wait3A_650 = arith.constant 0 : i32
      %dma_wait3A_651 = tpu.memref_slice %arg7[%add3A_649, %dma_wait3A_650] : memref<819200x64xf32, #tpu.memory_space<hbm>> -> memref<128x64xf32, #tpu.memory_space<hbm>>
      %dma_wait3A_652 = arith.constant 0 : i32
      %dma_wait3A_653 = tpu.memref_slice %arg7[%add3A_649, %dma_wait3A_652] : memref<819200x64xf32, #tpu.memory_space<hbm>> -> memref<128x64xf32, #tpu.memory_space<hbm>>
      tpu.wait_dma2 semaphore(%arg37 : memref<!tpu.dma_semaphore, #tpu.memory_space<semaphore_mem>>) src(%arg17 : memref<128x64xf32, #tpu.memory_space<vmem>>) dst(%dma_wait3A_653 : memref<128x64xf32, #tpu.memory_space<hbm>>)
      %add3A_654 = arith.constant 10 : i32
      %add3A_655 = arith.addi %add3A_646, %add3A_654 : i32
      %dma_start3A_656 = arith.constant 0 : i32
      %dma_start3A_657 = tpu.memref_slice %arg9[%add3A_655, %dma_start3A_656] : memref<200x128xi32, #tpu.memory_space<vmem>> -> memref<1x128xi32, #tpu.memory_space<vmem>>
      %dma_start3A_658 = tpu.memref_squeeze %dma_start3A_657 : memref<1x128xi32, #tpu.memory_space<vmem>> -> memref<128xi32, #tpu.memory_space<vmem>>
      %dma_start3A_659 = arith.constant 0 : i32
      %dma_start3A_660 = arith.constant 0 : i32
      %dma_start3A_661 = tpu.memref_slice %arg5[%dma_start3A_659, %dma_start3A_660] : memref<1000000x64xf32, #tpu.memory_space<hbm>> -> memref<1000000x64xf32, #tpu.memory_space<hbm>>
      tpu.enqueue_indirect_dma source(%dma_start3A_661 : memref<1000000x64xf32, #tpu.memory_space<hbm>>) target(%arg17 : memref<128x64xf32, #tpu.memory_space<vmem>>) offsets(%dma_start3A_658 : memref<128xi32, #tpu.memory_space<vmem>>) semaphore(%arg27 : memref<!tpu.dma_semaphore, #tpu.memory_space<semaphore_mem>>)
      %add3A_662 = arith.constant 8 : i32
      %add3A_663 = arith.addi %add3A_375, %add3A_662 : i32
      %mul3A_664 = arith.constant 128 : i32
      %mul3A_665 = arith.muli %add3A_663, %mul3A_664 : i32
      %add3A_666 = arith.addi %mul3A_4, %mul3A_665 : i32
      %dma_wait3A_667 = arith.constant 0 : i32
      %dma_wait3A_668 = tpu.memref_slice %arg7[%add3A_666, %dma_wait3A_667] : memref<819200x64xf32, #tpu.memory_space<hbm>> -> memref<128x64xf32, #tpu.memory_space<hbm>>
      %dma_wait3A_669 = arith.constant 0 : i32
      %dma_wait3A_670 = tpu.memref_slice %arg7[%add3A_666, %dma_wait3A_669] : memref<819200x64xf32, #tpu.memory_space<hbm>> -> memref<128x64xf32, #tpu.memory_space<hbm>>
      tpu.wait_dma2 semaphore(%arg38 : memref<!tpu.dma_semaphore, #tpu.memory_space<semaphore_mem>>) src(%arg18 : memref<128x64xf32, #tpu.memory_space<vmem>>) dst(%dma_wait3A_670 : memref<128x64xf32, #tpu.memory_space<hbm>>)
      %add3A_671 = arith.constant 10 : i32
      %add3A_672 = arith.addi %add3A_663, %add3A_671 : i32
      %dma_start3A_673 = arith.constant 0 : i32
      %dma_start3A_674 = tpu.memref_slice %arg9[%add3A_672, %dma_start3A_673] : memref<200x128xi32, #tpu.memory_space<vmem>> -> memref<1x128xi32, #tpu.memory_space<vmem>>
      %dma_start3A_675 = tpu.memref_squeeze %dma_start3A_674 : memref<1x128xi32, #tpu.memory_space<vmem>> -> memref<128xi32, #tpu.memory_space<vmem>>
      %dma_start3A_676 = arith.constant 0 : i32
      %dma_start3A_677 = arith.constant 0 : i32
      %dma_start3A_678 = tpu.memref_slice %arg5[%dma_start3A_676, %dma_start3A_677] : memref<1000000x64xf32, #tpu.memory_space<hbm>> -> memref<1000000x64xf32, #tpu.memory_space<hbm>>
      tpu.enqueue_indirect_dma source(%dma_start3A_678 : memref<1000000x64xf32, #tpu.memory_space<hbm>>) target(%arg18 : memref<128x64xf32, #tpu.memory_space<vmem>>) offsets(%dma_start3A_675 : memref<128xi32, #tpu.memory_space<vmem>>) semaphore(%arg28 : memref<!tpu.dma_semaphore, #tpu.memory_space<semaphore_mem>>)
      %add3A_679 = arith.constant 9 : i32
      %add3A_680 = arith.addi %add3A_375, %add3A_679 : i32
      %mul3A_681 = arith.constant 128 : i32
      %mul3A_682 = arith.muli %add3A_680, %mul3A_681 : i32
      %add3A_683 = arith.addi %mul3A_4, %mul3A_682 : i32
      %dma_wait3A_684 = arith.constant 0 : i32
      %dma_wait3A_685 = tpu.memref_slice %arg7[%add3A_683, %dma_wait3A_684] : memref<819200x64xf32, #tpu.memory_space<hbm>> -> memref<128x64xf32, #tpu.memory_space<hbm>>
      %dma_wait3A_686 = arith.constant 0 : i32
      %dma_wait3A_687 = tpu.memref_slice %arg7[%add3A_683, %dma_wait3A_686] : memref<819200x64xf32, #tpu.memory_space<hbm>> -> memref<128x64xf32, #tpu.memory_space<hbm>>
      tpu.wait_dma2 semaphore(%arg39 : memref<!tpu.dma_semaphore, #tpu.memory_space<semaphore_mem>>) src(%arg19 : memref<128x64xf32, #tpu.memory_space<vmem>>) dst(%dma_wait3A_687 : memref<128x64xf32, #tpu.memory_space<hbm>>)
      %add3A_688 = arith.constant 10 : i32
      %add3A_689 = arith.addi %add3A_680, %add3A_688 : i32
      %dma_start3A_690 = arith.constant 0 : i32
      %dma_start3A_691 = tpu.memref_slice %arg9[%add3A_689, %dma_start3A_690] : memref<200x128xi32, #tpu.memory_space<vmem>> -> memref<1x128xi32, #tpu.memory_space<vmem>>
      %dma_start3A_692 = tpu.memref_squeeze %dma_start3A_691 : memref<1x128xi32, #tpu.memory_space<vmem>> -> memref<128xi32, #tpu.memory_space<vmem>>
      %dma_start3A_693 = arith.constant 0 : i32
      %dma_start3A_694 = arith.constant 0 : i32
      %dma_start3A_695 = tpu.memref_slice %arg5[%dma_start3A_693, %dma_start3A_694] : memref<1000000x64xf32, #tpu.memory_space<hbm>> -> memref<1000000x64xf32, #tpu.memory_space<hbm>>
      tpu.enqueue_indirect_dma source(%dma_start3A_695 : memref<1000000x64xf32, #tpu.memory_space<hbm>>) target(%arg19 : memref<128x64xf32, #tpu.memory_space<vmem>>) offsets(%dma_start3A_692 : memref<128xi32, #tpu.memory_space<vmem>>) semaphore(%arg29 : memref<!tpu.dma_semaphore, #tpu.memory_space<semaphore_mem>>)
    }
    %scan3A_180 = arith.constant 19 : i32
    %dma_wait3A_181 = arith.constant 190 : i32
    %dma_wait3A_182 = arith.constant 0 : i32
    %dma_wait3A_183 = tpu.memref_slice %arg9[%dma_wait3A_181, %dma_wait3A_182] : memref<200x128xi32, #tpu.memory_space<vmem>> -> memref<1x128xi32, #tpu.memory_space<vmem>>
    %dma_wait3A_184 = tpu.memref_squeeze %dma_wait3A_183 : memref<1x128xi32, #tpu.memory_space<vmem>> -> memref<128xi32, #tpu.memory_space<vmem>>
    %dma_wait3A_185 = arith.constant 0 : i32
    %dma_wait3A_186 = arith.constant 0 : i32
    %dma_wait3A_187 = tpu.memref_slice %arg5[%dma_wait3A_185, %dma_wait3A_186] : memref<1000000x64xf32, #tpu.memory_space<hbm>> -> memref<1000000x64xf32, #tpu.memory_space<hbm>>
    tpu.wait_indirect_dma semaphore(%arg20 : memref<!tpu.dma_semaphore, #tpu.memory_space<semaphore_mem>>) src(%dma_wait3A_187 : memref<1000000x64xf32, #tpu.memory_space<hbm>>) dst(%arg10 : memref<128x64xf32, #tpu.memory_space<vmem>>)
    %add3A_188 = arith.constant 24320 : i32
    %add3A_189 = arith.addi %mul3A_4, %add3A_188 : i32
    %dma_start3A_190 = arith.constant 0 : i32
    %dma_start3A_191 = tpu.memref_slice %arg7[%add3A_189, %dma_start3A_190] : memref<819200x64xf32, #tpu.memory_space<hbm>> -> memref<128x64xf32, #tpu.memory_space<hbm>>
    %dma_start3A_192 = arith.constant 0 : i32
    %dma_start3A_193 = tpu.memref_slice %arg7[%add3A_189, %dma_start3A_192] : memref<819200x64xf32, #tpu.memory_space<hbm>> -> memref<128x64xf32, #tpu.memory_space<hbm>>
    tpu.enqueue_dma source(%arg10 : memref<128x64xf32, #tpu.memory_space<vmem>>) target(%dma_start3A_193 : memref<128x64xf32, #tpu.memory_space<hbm>>) target_semaphore(%arg30 : memref<!tpu.dma_semaphore, #tpu.memory_space<semaphore_mem>>)
    %dma_wait3A_194 = arith.constant 191 : i32
    %dma_wait3A_195 = arith.constant 0 : i32
    %dma_wait3A_196 = tpu.memref_slice %arg9[%dma_wait3A_194, %dma_wait3A_195] : memref<200x128xi32, #tpu.memory_space<vmem>> -> memref<1x128xi32, #tpu.memory_space<vmem>>
    %dma_wait3A_197 = tpu.memref_squeeze %dma_wait3A_196 : memref<1x128xi32, #tpu.memory_space<vmem>> -> memref<128xi32, #tpu.memory_space<vmem>>
    %dma_wait3A_198 = arith.constant 0 : i32
    %dma_wait3A_199 = arith.constant 0 : i32
    %dma_wait3A_200 = tpu.memref_slice %arg5[%dma_wait3A_198, %dma_wait3A_199] : memref<1000000x64xf32, #tpu.memory_space<hbm>> -> memref<1000000x64xf32, #tpu.memory_space<hbm>>
    tpu.wait_indirect_dma semaphore(%arg21 : memref<!tpu.dma_semaphore, #tpu.memory_space<semaphore_mem>>) src(%dma_wait3A_200 : memref<1000000x64xf32, #tpu.memory_space<hbm>>) dst(%arg11 : memref<128x64xf32, #tpu.memory_space<vmem>>)
    %add3A_201 = arith.constant 24448 : i32
    %add3A_202 = arith.addi %mul3A_4, %add3A_201 : i32
    %dma_start3A_203 = arith.constant 0 : i32
    %dma_start3A_204 = tpu.memref_slice %arg7[%add3A_202, %dma_start3A_203] : memref<819200x64xf32, #tpu.memory_space<hbm>> -> memref<128x64xf32, #tpu.memory_space<hbm>>
    %dma_start3A_205 = arith.constant 0 : i32
    %dma_start3A_206 = tpu.memref_slice %arg7[%add3A_202, %dma_start3A_205] : memref<819200x64xf32, #tpu.memory_space<hbm>> -> memref<128x64xf32, #tpu.memory_space<hbm>>
    tpu.enqueue_dma source(%arg11 : memref<128x64xf32, #tpu.memory_space<vmem>>) target(%dma_start3A_206 : memref<128x64xf32, #tpu.memory_space<hbm>>) target_semaphore(%arg31 : memref<!tpu.dma_semaphore, #tpu.memory_space<semaphore_mem>>)
    %dma_wait3A_207 = arith.constant 192 : i32
    %dma_wait3A_208 = arith.constant 0 : i32
    %dma_wait3A_209 = tpu.memref_slice %arg9[%dma_wait3A_207, %dma_wait3A_208] : memref<200x128xi32, #tpu.memory_space<vmem>> -> memref<1x128xi32, #tpu.memory_space<vmem>>
    %dma_wait3A_210 = tpu.memref_squeeze %dma_wait3A_209 : memref<1x128xi32, #tpu.memory_space<vmem>> -> memref<128xi32, #tpu.memory_space<vmem>>
    %dma_wait3A_211 = arith.constant 0 : i32
    %dma_wait3A_212 = arith.constant 0 : i32
    %dma_wait3A_213 = tpu.memref_slice %arg5[%dma_wait3A_211, %dma_wait3A_212] : memref<1000000x64xf32, #tpu.memory_space<hbm>> -> memref<1000000x64xf32, #tpu.memory_space<hbm>>
    tpu.wait_indirect_dma semaphore(%arg22 : memref<!tpu.dma_semaphore, #tpu.memory_space<semaphore_mem>>) src(%dma_wait3A_213 : memref<1000000x64xf32, #tpu.memory_space<hbm>>) dst(%arg12 : memref<128x64xf32, #tpu.memory_space<vmem>>)
    %add3A_214 = arith.constant 24576 : i32
    %add3A_215 = arith.addi %mul3A_4, %add3A_214 : i32
    %dma_start3A_216 = arith.constant 0 : i32
    %dma_start3A_217 = tpu.memref_slice %arg7[%add3A_215, %dma_start3A_216] : memref<819200x64xf32, #tpu.memory_space<hbm>> -> memref<128x64xf32, #tpu.memory_space<hbm>>
    %dma_start3A_218 = arith.constant 0 : i32
    %dma_start3A_219 = tpu.memref_slice %arg7[%add3A_215, %dma_start3A_218] : memref<819200x64xf32, #tpu.memory_space<hbm>> -> memref<128x64xf32, #tpu.memory_space<hbm>>
    tpu.enqueue_dma source(%arg12 : memref<128x64xf32, #tpu.memory_space<vmem>>) target(%dma_start3A_219 : memref<128x64xf32, #tpu.memory_space<hbm>>) target_semaphore(%arg32 : memref<!tpu.dma_semaphore, #tpu.memory_space<semaphore_mem>>)
    %dma_wait3A_220 = arith.constant 193 : i32
    %dma_wait3A_221 = arith.constant 0 : i32
    %dma_wait3A_222 = tpu.memref_slice %arg9[%dma_wait3A_220, %dma_wait3A_221] : memref<200x128xi32, #tpu.memory_space<vmem>> -> memref<1x128xi32, #tpu.memory_space<vmem>>
    %dma_wait3A_223 = tpu.memref_squeeze %dma_wait3A_222 : memref<1x128xi32, #tpu.memory_space<vmem>> -> memref<128xi32, #tpu.memory_space<vmem>>
    %dma_wait3A_224 = arith.constant 0 : i32
    %dma_wait3A_225 = arith.constant 0 : i32
    %dma_wait3A_226 = tpu.memref_slice %arg5[%dma_wait3A_224, %dma_wait3A_225] : memref<1000000x64xf32, #tpu.memory_space<hbm>> -> memref<1000000x64xf32, #tpu.memory_space<hbm>>
    tpu.wait_indirect_dma semaphore(%arg23 : memref<!tpu.dma_semaphore, #tpu.memory_space<semaphore_mem>>) src(%dma_wait3A_226 : memref<1000000x64xf32, #tpu.memory_space<hbm>>) dst(%arg13 : memref<128x64xf32, #tpu.memory_space<vmem>>)
    %add3A_227 = arith.constant 24704 : i32
    %add3A_228 = arith.addi %mul3A_4, %add3A_227 : i32
    %dma_start3A_229 = arith.constant 0 : i32
    %dma_start3A_230 = tpu.memref_slice %arg7[%add3A_228, %dma_start3A_229] : memref<819200x64xf32, #tpu.memory_space<hbm>> -> memref<128x64xf32, #tpu.memory_space<hbm>>
    %dma_start3A_231 = arith.constant 0 : i32
    %dma_start3A_232 = tpu.memref_slice %arg7[%add3A_228, %dma_start3A_231] : memref<819200x64xf32, #tpu.memory_space<hbm>> -> memref<128x64xf32, #tpu.memory_space<hbm>>
    tpu.enqueue_dma source(%arg13 : memref<128x64xf32, #tpu.memory_space<vmem>>) target(%dma_start3A_232 : memref<128x64xf32, #tpu.memory_space<hbm>>) target_semaphore(%arg33 : memref<!tpu.dma_semaphore, #tpu.memory_space<semaphore_mem>>)
    %dma_wait3A_233 = arith.constant 194 : i32
    %dma_wait3A_234 = arith.constant 0 : i32
    %dma_wait3A_235 = tpu.memref_slice %arg9[%dma_wait3A_233, %dma_wait3A_234] : memref<200x128xi32, #tpu.memory_space<vmem>> -> memref<1x128xi32, #tpu.memory_space<vmem>>
    %dma_wait3A_236 = tpu.memref_squeeze %dma_wait3A_235 : memref<1x128xi32, #tpu.memory_space<vmem>> -> memref<128xi32, #tpu.memory_space<vmem>>
    %dma_wait3A_237 = arith.constant 0 : i32
    %dma_wait3A_238 = arith.constant 0 : i32
    %dma_wait3A_239 = tpu.memref_slice %arg5[%dma_wait3A_237, %dma_wait3A_238] : memref<1000000x64xf32, #tpu.memory_space<hbm>> -> memref<1000000x64xf32, #tpu.memory_space<hbm>>
    tpu.wait_indirect_dma semaphore(%arg24 : memref<!tpu.dma_semaphore, #tpu.memory_space<semaphore_mem>>) src(%dma_wait3A_239 : memref<1000000x64xf32, #tpu.memory_space<hbm>>) dst(%arg14 : memref<128x64xf32, #tpu.memory_space<vmem>>)
    %add3A_240 = arith.constant 24832 : i32
    %add3A_241 = arith.addi %mul3A_4, %add3A_240 : i32
    %dma_start3A_242 = arith.constant 0 : i32
    %dma_start3A_243 = tpu.memref_slice %arg7[%add3A_241, %dma_start3A_242] : memref<819200x64xf32, #tpu.memory_space<hbm>> -> memref<128x64xf32, #tpu.memory_space<hbm>>
    %dma_start3A_244 = arith.constant 0 : i32
    %dma_start3A_245 = tpu.memref_slice %arg7[%add3A_241, %dma_start3A_244] : memref<819200x64xf32, #tpu.memory_space<hbm>> -> memref<128x64xf32, #tpu.memory_space<hbm>>
    tpu.enqueue_dma source(%arg14 : memref<128x64xf32, #tpu.memory_space<vmem>>) target(%dma_start3A_245 : memref<128x64xf32, #tpu.memory_space<hbm>>) target_semaphore(%arg34 : memref<!tpu.dma_semaphore, #tpu.memory_space<semaphore_mem>>)
    %dma_wait3A_246 = arith.constant 195 : i32
    %dma_wait3A_247 = arith.constant 0 : i32
    %dma_wait3A_248 = tpu.memref_slice %arg9[%dma_wait3A_246, %dma_wait3A_247] : memref<200x128xi32, #tpu.memory_space<vmem>> -> memref<1x128xi32, #tpu.memory_space<vmem>>
    %dma_wait3A_249 = tpu.memref_squeeze %dma_wait3A_248 : memref<1x128xi32, #tpu.memory_space<vmem>> -> memref<128xi32, #tpu.memory_space<vmem>>
    %dma_wait3A_250 = arith.constant 0 : i32
    %dma_wait3A_251 = arith.constant 0 : i32
    %dma_wait3A_252 = tpu.memref_slice %arg5[%dma_wait3A_250, %dma_wait3A_251] : memref<1000000x64xf32, #tpu.memory_space<hbm>> -> memref<1000000x64xf32, #tpu.memory_space<hbm>>
    tpu.wait_indirect_dma semaphore(%arg25 : memref<!tpu.dma_semaphore, #tpu.memory_space<semaphore_mem>>) src(%dma_wait3A_252 : memref<1000000x64xf32, #tpu.memory_space<hbm>>) dst(%arg15 : memref<128x64xf32, #tpu.memory_space<vmem>>)
    %add3A_253 = arith.constant 24960 : i32
    %add3A_254 = arith.addi %mul3A_4, %add3A_253 : i32
    %dma_start3A_255 = arith.constant 0 : i32
    %dma_start3A_256 = tpu.memref_slice %arg7[%add3A_254, %dma_start3A_255] : memref<819200x64xf32, #tpu.memory_space<hbm>> -> memref<128x64xf32, #tpu.memory_space<hbm>>
    %dma_start3A_257 = arith.constant 0 : i32
    %dma_start3A_258 = tpu.memref_slice %arg7[%add3A_254, %dma_start3A_257] : memref<819200x64xf32, #tpu.memory_space<hbm>> -> memref<128x64xf32, #tpu.memory_space<hbm>>
    tpu.enqueue_dma source(%arg15 : memref<128x64xf32, #tpu.memory_space<vmem>>) target(%dma_start3A_258 : memref<128x64xf32, #tpu.memory_space<hbm>>) target_semaphore(%arg35 : memref<!tpu.dma_semaphore, #tpu.memory_space<semaphore_mem>>)
    %dma_wait3A_259 = arith.constant 196 : i32
    %dma_wait3A_260 = arith.constant 0 : i32
    %dma_wait3A_261 = tpu.memref_slice %arg9[%dma_wait3A_259, %dma_wait3A_260] : memref<200x128xi32, #tpu.memory_space<vmem>> -> memref<1x128xi32, #tpu.memory_space<vmem>>
    %dma_wait3A_262 = tpu.memref_squeeze %dma_wait3A_261 : memref<1x128xi32, #tpu.memory_space<vmem>> -> memref<128xi32, #tpu.memory_space<vmem>>
    %dma_wait3A_263 = arith.constant 0 : i32
    %dma_wait3A_264 = arith.constant 0 : i32
    %dma_wait3A_265 = tpu.memref_slice %arg5[%dma_wait3A_263, %dma_wait3A_264] : memref<1000000x64xf32, #tpu.memory_space<hbm>> -> memref<1000000x64xf32, #tpu.memory_space<hbm>>
    tpu.wait_indirect_dma semaphore(%arg26 : memref<!tpu.dma_semaphore, #tpu.memory_space<semaphore_mem>>) src(%dma_wait3A_265 : memref<1000000x64xf32, #tpu.memory_space<hbm>>) dst(%arg16 : memref<128x64xf32, #tpu.memory_space<vmem>>)
    %add3A_266 = arith.constant 25088 : i32
    %add3A_267 = arith.addi %mul3A_4, %add3A_266 : i32
    %dma_start3A_268 = arith.constant 0 : i32
    %dma_start3A_269 = tpu.memref_slice %arg7[%add3A_267, %dma_start3A_268] : memref<819200x64xf32, #tpu.memory_space<hbm>> -> memref<128x64xf32, #tpu.memory_space<hbm>>
    %dma_start3A_270 = arith.constant 0 : i32
    %dma_start3A_271 = tpu.memref_slice %arg7[%add3A_267, %dma_start3A_270] : memref<819200x64xf32, #tpu.memory_space<hbm>> -> memref<128x64xf32, #tpu.memory_space<hbm>>
    tpu.enqueue_dma source(%arg16 : memref<128x64xf32, #tpu.memory_space<vmem>>) target(%dma_start3A_271 : memref<128x64xf32, #tpu.memory_space<hbm>>) target_semaphore(%arg36 : memref<!tpu.dma_semaphore, #tpu.memory_space<semaphore_mem>>)
    %dma_wait3A_272 = arith.constant 197 : i32
    %dma_wait3A_273 = arith.constant 0 : i32
    %dma_wait3A_274 = tpu.memref_slice %arg9[%dma_wait3A_272, %dma_wait3A_273] : memref<200x128xi32, #tpu.memory_space<vmem>> -> memref<1x128xi32, #tpu.memory_space<vmem>>
    %dma_wait3A_275 = tpu.memref_squeeze %dma_wait3A_274 : memref<1x128xi32, #tpu.memory_space<vmem>> -> memref<128xi32, #tpu.memory_space<vmem>>
    %dma_wait3A_276 = arith.constant 0 : i32
    %dma_wait3A_277 = arith.constant 0 : i32
    %dma_wait3A_278 = tpu.memref_slice %arg5[%dma_wait3A_276, %dma_wait3A_277] : memref<1000000x64xf32, #tpu.memory_space<hbm>> -> memref<1000000x64xf32, #tpu.memory_space<hbm>>
    tpu.wait_indirect_dma semaphore(%arg27 : memref<!tpu.dma_semaphore, #tpu.memory_space<semaphore_mem>>) src(%dma_wait3A_278 : memref<1000000x64xf32, #tpu.memory_space<hbm>>) dst(%arg17 : memref<128x64xf32, #tpu.memory_space<vmem>>)
    %add3A_279 = arith.constant 25216 : i32
    %add3A_280 = arith.addi %mul3A_4, %add3A_279 : i32
    %dma_start3A_281 = arith.constant 0 : i32
    %dma_start3A_282 = tpu.memref_slice %arg7[%add3A_280, %dma_start3A_281] : memref<819200x64xf32, #tpu.memory_space<hbm>> -> memref<128x64xf32, #tpu.memory_space<hbm>>
    %dma_start3A_283 = arith.constant 0 : i32
    %dma_start3A_284 = tpu.memref_slice %arg7[%add3A_280, %dma_start3A_283] : memref<819200x64xf32, #tpu.memory_space<hbm>> -> memref<128x64xf32, #tpu.memory_space<hbm>>
    tpu.enqueue_dma source(%arg17 : memref<128x64xf32, #tpu.memory_space<vmem>>) target(%dma_start3A_284 : memref<128x64xf32, #tpu.memory_space<hbm>>) target_semaphore(%arg37 : memref<!tpu.dma_semaphore, #tpu.memory_space<semaphore_mem>>)
    %dma_wait3A_285 = arith.constant 198 : i32
    %dma_wait3A_286 = arith.constant 0 : i32
    %dma_wait3A_287 = tpu.memref_slice %arg9[%dma_wait3A_285, %dma_wait3A_286] : memref<200x128xi32, #tpu.memory_space<vmem>> -> memref<1x128xi32, #tpu.memory_space<vmem>>
    %dma_wait3A_288 = tpu.memref_squeeze %dma_wait3A_287 : memref<1x128xi32, #tpu.memory_space<vmem>> -> memref<128xi32, #tpu.memory_space<vmem>>
    %dma_wait3A_289 = arith.constant 0 : i32
    %dma_wait3A_290 = arith.constant 0 : i32
    %dma_wait3A_291 = tpu.memref_slice %arg5[%dma_wait3A_289, %dma_wait3A_290] : memref<1000000x64xf32, #tpu.memory_space<hbm>> -> memref<1000000x64xf32, #tpu.memory_space<hbm>>
    tpu.wait_indirect_dma semaphore(%arg28 : memref<!tpu.dma_semaphore, #tpu.memory_space<semaphore_mem>>) src(%dma_wait3A_291 : memref<1000000x64xf32, #tpu.memory_space<hbm>>) dst(%arg18 : memref<128x64xf32, #tpu.memory_space<vmem>>)
    %add3A_292 = arith.constant 25344 : i32
    %add3A_293 = arith.addi %mul3A_4, %add3A_292 : i32
    %dma_start3A_294 = arith.constant 0 : i32
    %dma_start3A_295 = tpu.memref_slice %arg7[%add3A_293, %dma_start3A_294] : memref<819200x64xf32, #tpu.memory_space<hbm>> -> memref<128x64xf32, #tpu.memory_space<hbm>>
    %dma_start3A_296 = arith.constant 0 : i32
    %dma_start3A_297 = tpu.memref_slice %arg7[%add3A_293, %dma_start3A_296] : memref<819200x64xf32, #tpu.memory_space<hbm>> -> memref<128x64xf32, #tpu.memory_space<hbm>>
    tpu.enqueue_dma source(%arg18 : memref<128x64xf32, #tpu.memory_space<vmem>>) target(%dma_start3A_297 : memref<128x64xf32, #tpu.memory_space<hbm>>) target_semaphore(%arg38 : memref<!tpu.dma_semaphore, #tpu.memory_space<semaphore_mem>>)
    %dma_wait3A_298 = arith.constant 199 : i32
    %dma_wait3A_299 = arith.constant 0 : i32
    %dma_wait3A_300 = tpu.memref_slice %arg9[%dma_wait3A_298, %dma_wait3A_299] : memref<200x128xi32, #tpu.memory_space<vmem>> -> memref<1x128xi32, #tpu.memory_space<vmem>>
    %dma_wait3A_301 = tpu.memref_squeeze %dma_wait3A_300 : memref<1x128xi32, #tpu.memory_space<vmem>> -> memref<128xi32, #tpu.memory_space<vmem>>
    %dma_wait3A_302 = arith.constant 0 : i32
    %dma_wait3A_303 = arith.constant 0 : i32
    %dma_wait3A_304 = tpu.memref_slice %arg5[%dma_wait3A_302, %dma_wait3A_303] : memref<1000000x64xf32, #tpu.memory_space<hbm>> -> memref<1000000x64xf32, #tpu.memory_space<hbm>>
    tpu.wait_indirect_dma semaphore(%arg29 : memref<!tpu.dma_semaphore, #tpu.memory_space<semaphore_mem>>) src(%dma_wait3A_304 : memref<1000000x64xf32, #tpu.memory_space<hbm>>) dst(%arg19 : memref<128x64xf32, #tpu.memory_space<vmem>>)
    %add3A_305 = arith.constant 25472 : i32
    %add3A_306 = arith.addi %mul3A_4, %add3A_305 : i32
    %dma_start3A_307 = arith.constant 0 : i32
    %dma_start3A_308 = tpu.memref_slice %arg7[%add3A_306, %dma_start3A_307] : memref<819200x64xf32, #tpu.memory_space<hbm>> -> memref<128x64xf32, #tpu.memory_space<hbm>>
    %dma_start3A_309 = arith.constant 0 : i32
    %dma_start3A_310 = tpu.memref_slice %arg7[%add3A_306, %dma_start3A_309] : memref<819200x64xf32, #tpu.memory_space<hbm>> -> memref<128x64xf32, #tpu.memory_space<hbm>>
    tpu.enqueue_dma source(%arg19 : memref<128x64xf32, #tpu.memory_space<vmem>>) target(%dma_start3A_310 : memref<128x64xf32, #tpu.memory_space<hbm>>) target_semaphore(%arg39 : memref<!tpu.dma_semaphore, #tpu.memory_space<semaphore_mem>>)
    %add3A_311 = arith.constant 24320 : i32
    %add3A_312 = arith.addi %mul3A_4, %add3A_311 : i32
    %dma_wait3A_313 = arith.constant 0 : i32
    %dma_wait3A_314 = tpu.memref_slice %arg7[%add3A_312, %dma_wait3A_313] : memref<819200x64xf32, #tpu.memory_space<hbm>> -> memref<128x64xf32, #tpu.memory_space<hbm>>
    %dma_wait3A_315 = arith.constant 0 : i32
    %dma_wait3A_316 = tpu.memref_slice %arg7[%add3A_312, %dma_wait3A_315] : memref<819200x64xf32, #tpu.memory_space<hbm>> -> memref<128x64xf32, #tpu.memory_space<hbm>>
    tpu.wait_dma2 semaphore(%arg30 : memref<!tpu.dma_semaphore, #tpu.memory_space<semaphore_mem>>) src(%arg10 : memref<128x64xf32, #tpu.memory_space<vmem>>) dst(%dma_wait3A_316 : memref<128x64xf32, #tpu.memory_space<hbm>>)
    %add3A_317 = arith.constant 24448 : i32
    %add3A_318 = arith.addi %mul3A_4, %add3A_317 : i32
    %dma_wait3A_319 = arith.constant 0 : i32
    %dma_wait3A_320 = tpu.memref_slice %arg7[%add3A_318, %dma_wait3A_319] : memref<819200x64xf32, #tpu.memory_space<hbm>> -> memref<128x64xf32, #tpu.memory_space<hbm>>
    %dma_wait3A_321 = arith.constant 0 : i32
    %dma_wait3A_322 = tpu.memref_slice %arg7[%add3A_318, %dma_wait3A_321] : memref<819200x64xf32, #tpu.memory_space<hbm>> -> memref<128x64xf32, #tpu.memory_space<hbm>>
    tpu.wait_dma2 semaphore(%arg31 : memref<!tpu.dma_semaphore, #tpu.memory_space<semaphore_mem>>) src(%arg11 : memref<128x64xf32, #tpu.memory_space<vmem>>) dst(%dma_wait3A_322 : memref<128x64xf32, #tpu.memory_space<hbm>>)
    %add3A_323 = arith.constant 24576 : i32
    %add3A_324 = arith.addi %mul3A_4, %add3A_323 : i32
    %dma_wait3A_325 = arith.constant 0 : i32
    %dma_wait3A_326 = tpu.memref_slice %arg7[%add3A_324, %dma_wait3A_325] : memref<819200x64xf32, #tpu.memory_space<hbm>> -> memref<128x64xf32, #tpu.memory_space<hbm>>
    %dma_wait3A_327 = arith.constant 0 : i32
    %dma_wait3A_328 = tpu.memref_slice %arg7[%add3A_324, %dma_wait3A_327] : memref<819200x64xf32, #tpu.memory_space<hbm>> -> memref<128x64xf32, #tpu.memory_space<hbm>>
    tpu.wait_dma2 semaphore(%arg32 : memref<!tpu.dma_semaphore, #tpu.memory_space<semaphore_mem>>) src(%arg12 : memref<128x64xf32, #tpu.memory_space<vmem>>) dst(%dma_wait3A_328 : memref<128x64xf32, #tpu.memory_space<hbm>>)
    %add3A_329 = arith.constant 24704 : i32
    %add3A_330 = arith.addi %mul3A_4, %add3A_329 : i32
    %dma_wait3A_331 = arith.constant 0 : i32
    %dma_wait3A_332 = tpu.memref_slice %arg7[%add3A_330, %dma_wait3A_331] : memref<819200x64xf32, #tpu.memory_space<hbm>> -> memref<128x64xf32, #tpu.memory_space<hbm>>
    %dma_wait3A_333 = arith.constant 0 : i32
    %dma_wait3A_334 = tpu.memref_slice %arg7[%add3A_330, %dma_wait3A_333] : memref<819200x64xf32, #tpu.memory_space<hbm>> -> memref<128x64xf32, #tpu.memory_space<hbm>>
    tpu.wait_dma2 semaphore(%arg33 : memref<!tpu.dma_semaphore, #tpu.memory_space<semaphore_mem>>) src(%arg13 : memref<128x64xf32, #tpu.memory_space<vmem>>) dst(%dma_wait3A_334 : memref<128x64xf32, #tpu.memory_space<hbm>>)
    %add3A_335 = arith.constant 24832 : i32
    %add3A_336 = arith.addi %mul3A_4, %add3A_335 : i32
    %dma_wait3A_337 = arith.constant 0 : i32
    %dma_wait3A_338 = tpu.memref_slice %arg7[%add3A_336, %dma_wait3A_337] : memref<819200x64xf32, #tpu.memory_space<hbm>> -> memref<128x64xf32, #tpu.memory_space<hbm>>
    %dma_wait3A_339 = arith.constant 0 : i32
    %dma_wait3A_340 = tpu.memref_slice %arg7[%add3A_336, %dma_wait3A_339] : memref<819200x64xf32, #tpu.memory_space<hbm>> -> memref<128x64xf32, #tpu.memory_space<hbm>>
    tpu.wait_dma2 semaphore(%arg34 : memref<!tpu.dma_semaphore, #tpu.memory_space<semaphore_mem>>) src(%arg14 : memref<128x64xf32, #tpu.memory_space<vmem>>) dst(%dma_wait3A_340 : memref<128x64xf32, #tpu.memory_space<hbm>>)
    %add3A_341 = arith.constant 24960 : i32
    %add3A_342 = arith.addi %mul3A_4, %add3A_341 : i32
    %dma_wait3A_343 = arith.constant 0 : i32
    %dma_wait3A_344 = tpu.memref_slice %arg7[%add3A_342, %dma_wait3A_343] : memref<819200x64xf32, #tpu.memory_space<hbm>> -> memref<128x64xf32, #tpu.memory_space<hbm>>
    %dma_wait3A_345 = arith.constant 0 : i32
    %dma_wait3A_346 = tpu.memref_slice %arg7[%add3A_342, %dma_wait3A_345] : memref<819200x64xf32, #tpu.memory_space<hbm>> -> memref<128x64xf32, #tpu.memory_space<hbm>>
    tpu.wait_dma2 semaphore(%arg35 : memref<!tpu.dma_semaphore, #tpu.memory_space<semaphore_mem>>) src(%arg15 : memref<128x64xf32, #tpu.memory_space<vmem>>) dst(%dma_wait3A_346 : memref<128x64xf32, #tpu.memory_space<hbm>>)
    %add3A_347 = arith.constant 25088 : i32
    %add3A_348 = arith.addi %mul3A_4, %add3A_347 : i32
    %dma_wait3A_349 = arith.constant 0 : i32
    %dma_wait3A_350 = tpu.memref_slice %arg7[%add3A_348, %dma_wait3A_349] : memref<819200x64xf32, #tpu.memory_space<hbm>> -> memref<128x64xf32, #tpu.memory_space<hbm>>
    %dma_wait3A_351 = arith.constant 0 : i32
    %dma_wait3A_352 = tpu.memref_slice %arg7[%add3A_348, %dma_wait3A_351] : memref<819200x64xf32, #tpu.memory_space<hbm>> -> memref<128x64xf32, #tpu.memory_space<hbm>>
    tpu.wait_dma2 semaphore(%arg36 : memref<!tpu.dma_semaphore, #tpu.memory_space<semaphore_mem>>) src(%arg16 : memref<128x64xf32, #tpu.memory_space<vmem>>) dst(%dma_wait3A_352 : memref<128x64xf32, #tpu.memory_space<hbm>>)
    %add3A_353 = arith.constant 25216 : i32
    %add3A_354 = arith.addi %mul3A_4, %add3A_353 : i32
    %dma_wait3A_355 = arith.constant 0 : i32
    %dma_wait3A_356 = tpu.memref_slice %arg7[%add3A_354, %dma_wait3A_355] : memref<819200x64xf32, #tpu.memory_space<hbm>> -> memref<128x64xf32, #tpu.memory_space<hbm>>
    %dma_wait3A_357 = arith.constant 0 : i32
    %dma_wait3A_358 = tpu.memref_slice %arg7[%add3A_354, %dma_wait3A_357] : memref<819200x64xf32, #tpu.memory_space<hbm>> -> memref<128x64xf32, #tpu.memory_space<hbm>>
    tpu.wait_dma2 semaphore(%arg37 : memref<!tpu.dma_semaphore, #tpu.memory_space<semaphore_mem>>) src(%arg17 : memref<128x64xf32, #tpu.memory_space<vmem>>) dst(%dma_wait3A_358 : memref<128x64xf32, #tpu.memory_space<hbm>>)
    %add3A_359 = arith.constant 25344 : i32
    %add3A_360 = arith.addi %mul3A_4, %add3A_359 : i32
    %dma_wait3A_361 = arith.constant 0 : i32
    %dma_wait3A_362 = tpu.memref_slice %arg7[%add3A_360, %dma_wait3A_361] : memref<819200x64xf32, #tpu.memory_space<hbm>> -> memref<128x64xf32, #tpu.memory_space<hbm>>
    %dma_wait3A_363 = arith.constant 0 : i32
    %dma_wait3A_364 = tpu.memref_slice %arg7[%add3A_360, %dma_wait3A_363] : memref<819200x64xf32, #tpu.memory_space<hbm>> -> memref<128x64xf32, #tpu.memory_space<hbm>>
    tpu.wait_dma2 semaphore(%arg38 : memref<!tpu.dma_semaphore, #tpu.memory_space<semaphore_mem>>) src(%arg18 : memref<128x64xf32, #tpu.memory_space<vmem>>) dst(%dma_wait3A_364 : memref<128x64xf32, #tpu.memory_space<hbm>>)
    %add3A_365 = arith.constant 25472 : i32
    %add3A_366 = arith.addi %mul3A_4, %add3A_365 : i32
    %dma_wait3A_367 = arith.constant 0 : i32
    %dma_wait3A_368 = tpu.memref_slice %arg7[%add3A_366, %dma_wait3A_367] : memref<819200x64xf32, #tpu.memory_space<hbm>> -> memref<128x64xf32, #tpu.memory_space<hbm>>
    %dma_wait3A_369 = arith.constant 0 : i32
    %dma_wait3A_370 = tpu.memref_slice %arg7[%add3A_366, %dma_wait3A_369] : memref<819200x64xf32, #tpu.memory_space<hbm>> -> memref<128x64xf32, #tpu.memory_space<hbm>>
    tpu.wait_dma2 semaphore(%arg39 : memref<!tpu.dma_semaphore, #tpu.memory_space<semaphore_mem>>) src(%arg19 : memref<128x64xf32, #tpu.memory_space<vmem>>) dst(%dma_wait3A_370 : memref<128x64xf32, #tpu.memory_space<hbm>>)
    return
  }
}

</mosaic_0001>

<sc_bundles>
// kernel: kernel.3.cloned.1.call-start
scs
__scs_entry_jumppad:
0x0: {  	(pc) =	sbr.rel $0x88, $3  }
0x1: {  	(tag) =	ssettag $0x0;
	lr =	simm.s32 $0x1  }
0x2: {  	[smem:$0x3F9C] =	sst lr;
	_ =	strace $0xD0000000  }
0x3: {  	_ = 	snop  }
0x4: {  	_ = 	snop  }
0x5: {  	_ = 	snop  }
0x6: {  	_ = 	snop  }
0x7: {  	_ = 	snop  }
__scs_overlays_trampoline_lowered:
0x8: {  	[smem:$0x3FAB] =	sst s0  }
0x9: {  	[smem:$0x3FAC] =	sst s1  }
0xa: {  	[smem:$0x3FAD] =	sst s2  }
0xb: {  	[smem:$0x3FAE] =	sst s3  }
0xc: {  	[smem:$0x3FAF] =	sst s4  }
0xd: {  	[smem:$0x3FB0] =	sst s5  }
0xe: {  	[smem:$0x3FB1] =	sst s6  }
0xf: {  	[smem:$0x3FB2] =	sst s7  }
0x10: {  	[smem:$0x3FB3] =	sst s8  }
0x11: {  	[smem:$0x3FB4] =	sst s9;
	s0 =	simm.s32 @!p0 $0x0  }
0x12: {  	s1 =	sld [smem:$0x3F9A];
	s0 =	simm.s32 @p0 $0x1  }
0x13: {  	[smem:$0x3FB5] =	sst s0;
	s0 =	simm.s32 @!p1 $0x0  }
0x14: {  	s2 =	sld [smem:$0x3F99];
	s0 =	simm.s32 @p1 $0x1  }
0x15: {  	[smem:$0x3FB6] =	sst s0;
	s0 =	simm.s32 @!p2 $0x0  }
0x16: {  	s3 =	sld [smem:$0x3FDB];
	s0 =	simm.s32 @p2 $0x1  }
0x17: {  	s4 =	simm.s32 $0x1BF5;
	[smem:$0x3FB8] =	sst s0  }
0x18: {  	s0 =	sld [smem:$0x3F9B];
	_ =	swait.ge [sflag:s4], $0x0  }
0x19: {  	s7 =	sld [smem:$0x3F9C]  }
0x1a: {  	s8 =	sadd.s32 $0xFFFFE003, lr  }
0x1b: {  	s9 =	sadd.s32 $0xFFFFFEF7, lr;
	s5 =	simm.s32 $0xFFFFFFFF;
	p2 =	slt.u32 s8, $0xFFFFF086  }
0x1c: {  	p1 =	slt.u32 s9, $0xF7A;
	s5 =	simm.s32 @!p2 $0x0  }
0x1d: {  	s5 =	simm.s32 @p1 $0x1;
	p0 =	seq.s32 s7, s2  }
0x1e: {  	s7 =	smul.u32 @!p0 $0xF7A, s2;
	p2 =	seq.s32 @!p0 s5, $0x0  }
0x1f: {  	s9 =	smul.u32 $0xF7A, s1;
	s8 =	simm.s32 @!p0 $0x1BF5;
	p2 =	por !p2, p0  }
0x20: {  	[sflag:s8] =	ssyncset.s32 @!p0 $0xFFFFF086;
	s6 =	sadd.s32 @!p0 s3, s7;
	s7 =	simm.s32 @!p0 $0x108  }
0x21: {  	s3 =	sadd.s32 s3, s9;
	s6 =	sadd.s32 @!p0 $0x88, s6;
	s7 =	simm.s32 @p2 $0x1082  }
0x22: {  	[simem:s7], [sflag:s8] =	dma.local @!p0 [hbm:s6], $0xF7A  }
0x23: {  	s9 =	sor.u32 $0xD0000000, s2;
	s6 =	simm.s32 $0x108;
	_ =	swait.ge @!p0 [sflag:s8], $0x0  }
0x24: {  	s3 =	sadd.s32 $0x88, s3;
	s6 =	simm.s32 @!p1 $0x1082;
	[sflag:s4] =	ssyncset.s32 $0xFFFFF086  }
0x25: {  	[simem:s6], [sflag:s4] =	dma.local [hbm:s3], $0xF7A  }
0x26: {  	[smem:$0x3F9C] =	sst s1;
	(tag) =	ssettag s2;
	_ =	strace s9  }
0x27: {  	s1 =	sld [smem:$0x3FAC]  }
0x28: {  	s2 =	sld [smem:$0x3FAD]  }
0x29: {  	s4 =	sld [smem:$0x3FAF]  }
0x2a: {  	p0 =	seq.s32 s5, $0x0;
	s5 =	sld [smem:$0x3FB0]  }
0x2b: {  	s6 =	sld [smem:$0x3FB1]  }
0x2c: {  	s7 =	sld [smem:$0x3FB2]  }
0x2d: {  	s3 =	simm.s32 $0x108;
	s8 =	sld [smem:$0x3FB3]  }
0x2e: {  	s3 =	simm.s32 @!p0 $0x1082;
	s9 =	sld [smem:$0x3FB4]  }
0x2f: {  	lr =	sadd.s32 s0, s3;
	s0 =	sld [smem:$0x3FAB]  }
0x30: {  	s3 =	sld [smem:$0x3FAE]  }
0x31: {  	[smem:$0x3FB7] =	sst s10  }
0x32: {  	s10 =	sld [smem:$0x3FB5];
	_ =	sdelay $0x3  }
0x33: {  	p0 =	seq.s32 s10, $0x1;
	s10 =	sld [smem:$0x3FB7];
	_ =	sdelay $0x3  }
0x34: {  	[smem:$0x3FB7] =	sst s10  }
0x35: {  	s10 =	sld [smem:$0x3FB6];
	_ =	sdelay $0x3  }
0x36: {  	p1 =	seq.s32 s10, $0x1;
	s10 =	sld [smem:$0x3FB7];
	_ =	sdelay $0x3  }
0x37: {  	[smem:$0x3FB7] =	sst s10  }
0x38: {  	s10 =	sld [smem:$0x3FB8]  }
0x39: {  	_ = 	snop;
	(pc) =	sbr.ind lr, $3  }
0x3a: {  	_ = 	snop  }
0x3b: {  	_ = 	snop  }
0x3c: {  	p2 =	seq.s32 s10, $0x1;
	s10 =	sld [smem:$0x3FB7]  }
0x3d: {  	_ =	shalt  }
0x3e: {  	_ =	shalt  }
0x3f: {  	_ =	shalt  }
0x40: {  	_ =	shalt  }
0x41: {  	_ =	shalt  }
0x42: {  	_ =	shalt  }
0x43: {  	_ =	shalt  }
0x44: {  	_ =	shalt  }
0x45: {  	_ =	shalt  }
0x46: {  	_ =	shalt  }
0x47: {  	_ =	shalt  }
0x48: {  	_ =	shalt  }
0x49: {  	_ =	shalt  }
0x4a: {  	_ =	shalt  }
0x4b: {  	_ =	shalt  }
0x4c: {  	_ =	shalt  }
0x4d: {  	_ =	shalt  }
0x4e: {  	_ =	shalt  }
0x4f: {  	_ =	shalt  }
0x50: {  	_ =	shalt  }
0x51: {  	_ =	shalt  }
0x52: {  	_ =	shalt  }
0x53: {  	_ =	shalt  }
0x54: {  	_ =	shalt  }
0x55: {  	_ =	shalt  }
0x56: {  	_ =	shalt  }
0x57: {  	_ =	shalt  }
0x58: {  	_ =	shalt  }
0x59: {  	_ =	shalt  }
0x5a: {  	_ =	shalt  }
0x5b: {  	_ =	shalt  }
0x5c: {  	_ =	shalt  }
0x5d: {  	_ =	shalt  }
0x5e: {  	_ =	shalt  }
0x5f: {  	_ =	shalt  }
0x60: {  	_ =	shalt  }
0x61: {  	_ =	shalt  }
0x62: {  	_ =	shalt  }
0x63: {  	_ =	shalt  }
0x64: {  	_ =	shalt  }
0x65: {  	_ =	shalt  }
0x66: {  	_ =	shalt  }
0x67: {  	_ =	shalt  }
0x68: {  	_ =	shalt  }
0x69: {  	_ =	shalt  }
0x6a: {  	_ =	shalt  }
0x6b: {  	_ =	shalt  }
0x6c: {  	_ =	shalt  }
0x6d: {  	_ =	shalt  }
0x6e: {  	_ =	shalt  }
0x6f: {  	_ =	shalt  }
0x70: {  	_ =	shalt  }
0x71: {  	_ =	shalt  }
0x72: {  	_ =	shalt  }
0x73: {  	_ =	shalt  }
0x74: {  	_ =	shalt  }
0x75: {  	_ =	shalt  }
0x76: {  	_ =	shalt  }
0x77: {  	_ =	shalt  }
0x78: {  	_ =	shalt  }
0x79: {  	_ =	shalt  }
0x7a: {  	_ =	shalt  }
0x7b: {  	_ =	shalt  }
0x7c: {  	_ =	shalt  }
0x7d: {  	_ =	shalt  }
0x7e: {  	_ =	shalt  }
0x7f: {  	_ =	shalt  }
0x80: {  	_ =	shalt  }
0x81: {  	_ =	shalt  }
0x82: {  	_ =	shalt  }
0x83: {  	_ =	shalt  }
0x84: {  	_ =	shalt  }
0x85: {  	_ =	shalt  }
0x86: {  	_ =	shalt  }
0x87: {  	_ =	shalt  }
.Lfunc_end0:
.L_simem_size_0:
called_computation.1_lowered:
.L_overlay_start_0:
0x88: {  	s2 =	sld [smem:$0x3FD9]  }
0x89: {  	s3 =	sld [smem:$0x3FFE];
	_ =	sdelay $0x1  }
0x8a: {  	s1 =	srdreg.scid  }
0x8b: {  	s0 =	sand.u32 $0x1, s1  }
0x8c: {  	s14 =	sshll.u32 s0, $0xA;
	s2 =	sadd.s32 s3, s2  }
0x8d: {  	s2 =	sadd.s32 s2, s14  }
0x8e: {  	[smem:$0x3FC3] =	sst s2  }
0x8f: {  	_ = 	snop  }
0x90: {  	s2 =	sld [smem:$0x3FD0];
	_ =	sdelay $0x2  }
0x91: {  	s4 =	simm.s32 $0xA;
	s5 =	simm.s32 $0x10;
	s15 =	sld [smem:$0x3FC9]  }
0x92: {  	[smem:s5], [sflag:s4] =	dma.local [hbm:s2], $0x1  }
0x93: {  	_ =	swait.eq [sflag:s4], $0x1  }
0x94: {  	[sflag:s4] =	ssyncset.done $0x0  }
0x95: {  	s16 =	sld [smem:$0x10];
	[sflag:s4] =	ssyncadd.s32 $0xFFFFFFFF  }
0x96: {  	s17 =	sld [smem:$0x11];
	(tm) =	ssettm $0x1  }
0x97: {  	s18 =	sld [smem:$0x3FFB];
	_ =	sdelay $0x3  }
0x98: {  	_ =	strace s18  }
0x99: {  	s5 =	sld [smem:$0x3FFC];
	_ =	sdelay $0x3  }
0x9a: {  	_ =	strace s5  }
0x9b: {  	s5 =	sld [smem:$0x3FFD];
	_ =	sdelay $0x3  }
0x9c: {  	_ =	strace s5  }
0x9d: {  	_ =	strace $0x8FFFFFFF  }
0x9e: {  	s19 =	sld [smem:$0x3FDB];
	_ =	sdelay $0x1  }
0x9f: {  	s6 =	simm.s32 $_scs_section_size  }
0xa0: {  	s7 =	simm.s32 $_size__tile_overlayer_lowered;
	s8 =	simm.s32 $_tile_overlayer_lowered  }
0xa1: {  	s22 =	simm.s32 $0x1BFF;
	s21 =	sshll.u32 s8, $0x1;
	s5 =	sadd.s32 s6, s19  }
0xa2: {  	s9 =	simm.s32 $0x0;
	s20 =	sshll.u32 s7, $0x1;
	s7 =	sadd.s32 s21, s5  }
0xa3: {  	[timem:s9], [sflag:s22] =	dma.local [hbm:s7], s20  }
0xa4: {  	_ =	swait.ge [sflag:s22], s20  }
0xa5: {  	s6 =	ssub.s32 $0x0, s20;
	[sflag:s22] =	ssyncset.done $0x0  }
0xa6: {  	[sflag:s22] =	ssyncadd.s32 s6;
	_ =	sdelay $0x1  }
0xa7: {  	s23 =	simm.s32 $0x1B8B  }
0xa8: {  	_ =	swait.ge [sflag:s23], $0x1  }
0xa9: {  	[sflag:s23] =	ssyncset.done $0x0  }
0xaa: {  	s25 =	simm.s32 $0x1B8E;
	s24 =	sld [smem:$0x3FFE];
	[sflag:s23] =	ssyncadd.s32 $0xFFFFFFFF  }
0xab: {  	s26 =	simm.s32 $execute0_lowered;
	[smem:$0x3FD2] =	sst s25  }
0xac: {  	s7 =	sshll.u32 s26, $0x1;
	_ =	strace $0x80000046;
	[dreg:$0x1] =	wrdreg $0xFFFFFFFF  }
0xad: {  	s28 =	simm.s32 $_size_execute0_lowered;
	s5 =	sadd.s32 s5, s7;
	[dreg:$0x0] =	wrdreg $0x0  }
0xae: {  	s7 =	sshll.u32 s28, $0x1;
	[dreg:$0x2] =	wrdreg s5  }
0xaf: {  	[dreg:$0x3] =	wrdreg s7  }
0xb0: {  	[dreg:$0x4] =	wrdreg $0xC0  }
0xb1: {  	_ =	task [dreg:s9], $0x5FFFF  }
0xb2: {  	[dreg:$0x1] =	wrdreg $0xFFFFFFFF  }
0xb3: {  	[dreg:$0x0] =	wrdreg $0x60  }
0xb4: {  	[dreg:$0x2] =	wrdreg s15  }
0xb5: {  	[dreg:$0x3] =	wrdreg s24  }
0xb6: {  	[dreg:$0x4] =	wrdreg s16  }
0xb7: {  	[dreg:$0x5] =	wrdreg s17  }
0xb8: {  	[dreg:$0x6] =	wrdreg $0x9  }
0xb9: {  	_ =	task.clear_ibuf [dreg:s9], $0x7FFFF;
	_ =	strace $0x90000046  }
0xba: {  	s29 =	simm.s32 $0x9;
	_ =	strace $0x80000048  }
0xbb: {  	_ =	swait.ge [sflag:s29], $0x1  }
0xbc: {  	[sflag:s29] =	ssyncadd.s32 $0xFFFFFFFF  }
0xbd: {  	_ =	strace $0x90000048  }
0xbe: {  	_ =	sfence  }
0xbf: {  	s30 =	sld [smem:$0x0];
	_ =	sdelay $0x2  }
0xc0: {  	s31 =	sshll.u32 s1, $0xD;
	s1 =	sshrl.u32 s1, $0x2  }
0xc1: {  	s3 =	sand.u32 $0x4000, s31;
	s1 =	sadd.s32 s1, s30  }
0xc2: {  	s0 =	sor.u32 s3, s0;
	s1 =	sshll.u32 s1, $0x11  }
0xc3: {  	s0 =	sor.u32 s1, s0  }
0xc4: {  	s0 =	sadd.s32 $0x8F2B, s0  }
0xc5: {  	[sflag:s0] =	ssyncadd.remote.s32 $0x1  }
0xc6: {  	_ =	sfence.sel $0xFFFF  }
0xc7: {  	[dreg:$0x0] =	wrdreg $0xFFFFFFFF;
	(pc) =	sbr.abs _section_cstart, $3  }
0xc8: {  	[dreg:$0x1] =	wrdreg $0xFFFFFFFF  }
0xc9: {  	_ =	task.clear_ibuf [dreg:s9], $0x2FFFF;
	_ =	strace $0x9FFFFFFF  }
0xca: {  	(tm) =	ssettm $0x7FFFFFFF  }
0xcb: {  	_ =	shalt  }
tec
execute0_lowered:
.L_overlay_start_1:
0x0: {  	(tag) =	ssettag $0x1  }
0x1: {  	s0 =	rddreg [dreg:$0x0]  }
0x2: {  	s1 =	rddreg [dreg:$0x1];
	s2 =	srdreg.scid  }
0x3: {  	s11 =	stileid.u32;
	s4 =	rddreg [dreg:$0x2]  }
0x4: {  	s2 =	sand.u32 $0x1, s2;
	s3 =	sshll.u32 s11, $0x1;
	s10 =	smul.u32 $0xC800, s11  }
0x5: {  	s12 =	rddreg [dreg:$0x3];
	s6 =	sor.u32 s2, s3;
	s29 =	smul.u32 $0x6400, s2  }
0x6: {  	s24 =	sadd.s32 $0x16E4800, s1;
	s3 =	simm.s32 $0x0;
	s5 =	smul.u32 $0x6400, s6  }
0x7: {  	s8 =	ssub.s32 $0x2, s2;
	[smem:$0x7FF] =	sst s3;
	s9 =	smul.u32 $0x190000, s6  }
0x8: {  	s26 =	sshll.u32 s6, $0xC;
	s6 =	sshll.u32 s6, $0x6;
	_ =	strace $0x80000047  }
0x9: {  	[dreg:$0xf] =	wrdreg s24;
	s0 =	sadd.s32 s0, s6;
	s5 =	sshrl.u32 s5, $0x3  }
0xa: {  	s25 =	sshrl.u32 s8, $0x1;
	[dreg:$0x11] =	wrdreg s0;
	s7 =	sadd.s32 s5, s1  }
0xb: {  	s5 =	sadd.s32 $0xF43600, s1;
	s1 =	ssub.s32 s8, s25;
	s8 =	sadd.s32 s4, s26  }
0xc: {  	s30 =	sadd.s32 $0x1200, s7;
	[dreg:$0x10] =	wrdreg s8  }
0xd: {  	s4 =	sadd.s32 s29, s10;
	s31 =	sadd.s32 $0x400, s8;
	[dreg:$0x12] =	wrdreg s30  }
0xe: {  	s6 =	sadd.s32 $0x800, s8;
	s7 =	sshrl.u32 s9, $0x3;
	[dreg:$0x13] =	wrdreg s31  }
0xf: {  	s9 =	sadd.s32 $0xC00, s8;
	s4 =	sshll.u32 s4, $0x3;
	[dreg:$0x14] =	wrdreg s6  }
0x10: {  	[dreg:$0x15] =	wrdreg s9;
	s13 =	sadd.s32 $0x2400, s4  }
0x11: {  	s15 =	sadd.s32 $0x2000, s4;
	[dreg:$0x5] =	wrdreg s13  }
0x12: {  	s17 =	sor.u32 $0x1C00, s4;
	[dreg:$0x6] =	wrdreg s15  }
0x13: {  	s19 =	sor.u32 $0x1800, s4;
	[dreg:$0x7] =	wrdreg s17  }
0x14: {  	s21 =	sor.u32 $0x1400, s4;
	[dreg:$0x8] =	wrdreg s19  }
0x15: {  	s23 =	sor.u32 $0x1000, s4;
	[dreg:$0x9] =	wrdreg s21  }
0x16: {  	s24 =	sor.u32 $0xC00, s4;
	[dreg:$0xa] =	wrdreg s23  }
0x17: {  	s2 =	smul.u32 $0x32000, s2;
	s26 =	sor.u32 $0x800, s4;
	[dreg:$0xb] =	wrdreg s24  }
0x18: {  	s25 =	smul.u32 $0x64000, s11;
	s4 =	sor.u32 $0x400, s4;
	[dreg:$0xc] =	wrdreg s26  }
0x19: {  	s28 =	simm.s32 $0x14;
	s31 =	smax.u32 s1, $0x1;
	[dreg:$0xd] =	wrdreg s4  }
0x1a: {  	s0 =	sadd.s32 s12, s7;
	s2 =	sadd.s32 s2, s25;
	[smem:$0x7FD] =	sst s31  }
0x1b: {  	s11 =	simm.s32 $0xE;
	s10 =	sadd.s32 $0x2F800, s0;
	[dreg:$0xe] =	wrdreg s2  }
0x1c: {  	s25 =	simm.s32 $0x80;
	s12 =	sadd.s32 $0x2FC00, s0;
	[dreg:$0x16] =	wrdreg s10  }
0x1d: {  	s6 =	simm.s32 $0xF;
	s14 =	sadd.s32 $0x30000, s0;
	[dreg:$0x17] =	wrdreg s12  }
0x1e: {  	s16 =	sadd.s32 $0x30400, s0;
	s18 =	sadd.s32 $0x30800, s0;
	[dreg:$0x18] =	wrdreg s14  }
0x1f: {  	s20 =	sadd.s32 $0x30C00, s0;
	s22 =	sadd.s32 $0x31000, s0;
	[dreg:$0x19] =	wrdreg s16  }
0x20: {  	s29 =	sadd.s32 $0x31400, s0;
	s30 =	sadd.s32 $0x31800, s0;
	[dreg:$0x1a] =	wrdreg s18  }
0x21: {  	s0 =	sadd.s32 $0x31C00, s0;
	s19 =	simm.s32 $0x6;
	[dreg:$0x1b] =	wrdreg s20  }
0x22: {  	s24 =	simm.s32 $0x7;
	s21 =	simm.s32 $0x9;
	[dreg:$0x1c] =	wrdreg s22  }
0x23: {  	s23 =	simm.s32 $0x10;
	s4 =	simm.s32 $0x11;
	[dreg:$0x1d] =	wrdreg s29  }
0x24: {  	s2 =	simm.s32 $0x12;
	s26 =	simm.s32 $0x13;
	[dreg:$0x1e] =	wrdreg s30  }
0x25: {  	[dreg:$0x1f] =	wrdreg s0;
	s10 =	simm.s32 $0xD;
	s18 =	simm.s32 $0x5  }
0x26: {  	s20 =	simm.s32 $0x8;
	s22 =	simm.s32 $0xA;
	s0 =	simm.s32 $0x0  }
.LBB2_1:
0x27: {  	[smem:$0x7FC] =	sst s0  }
0x28: {  	s1 =	rddreg [dreg:$0x11];
	s12 =	simm.s32 $0x15  }
0x29: {  	[tilespmem:s3], [sflag:$0x15] =	stream.linear.gather [hbm4b:s1+s3], $0x200, $0x38;
	[tilespmem:$0x1A600] =	vst v63  }
0x2a: {  	_ =	swait.ge [sflag:s12], $0x200  }
0x2b: {  	[sflag:s12] =	ssyncset.done $0x0  }
0x2c: {  	s13 =	simm.s32 $0x200;
	s8 =	rddreg [dreg:$0x12];
	[sflag:s12] =	ssyncadd.s32 $0xFFFFFE00  }
0x2d: {  	[tilespmem:s13], [sflag:$0x15] =	stream.linear.gather [hbm4b:s8+s3], $0x6400, $0x38;
	[tilespmem:$0x1A600] =	vst v63  }
0x2e: {  	_ =	swait.ge [sflag:s12], $0x6400  }
0x2f: {  	[sflag:s12] =	ssyncset.done $0x0  }
0x30: {  	s9 =	rddreg [dreg:$0xf];
	[sflag:s12] =	ssyncadd.s32 $0xFFFF9C00;
	s12 =	simm.s32 $0x6600  }
0x31: {  	[tilespmem:s12], [sflag:$0x1] =	stream.indirect.gather [hbm4b:s9+s25], $0x40, s3, s25, $0xb8;
	[tilespmem:$0x1A600] =	vst v63  }
0x32: {  	s14 =	simm.s32 $0x8600  }
0x33: {  	[tilespmem:s14], [sflag:$0x2] =	stream.indirect.gather [hbm4b:s9+s25], $0x40, s25, s25, $0xb8;
	[tilespmem:$0x1A600] =	vst v63  }
0x34: {  	s15 =	simm.s32 $0x100;
	s16 =	simm.s32 $0xA600  }
0x35: {  	[tilespmem:s16], [sflag:$0x3] =	stream.indirect.gather [hbm4b:s9+s25], $0x40, s15, s25, $0xb8;
	[tilespmem:$0x1A600] =	vst v63  }
0x36: {  	s29 =	simm.s32 $0x180;
	s17 =	simm.s32 $0xC600;
	s0 =	simm.s32 $0x1  }
0x37: {  	[tilespmem:s17], [sflag:$0x4] =	stream.indirect.gather [hbm4b:s9+s25], $0x40, s29, s25, $0xb8;
	[tilespmem:$0x1A600] =	vst v63  }
0x38: {  	_ =	swait.ge [sflag:s0], $0x2000  }
0x39: {  	[sflag:s0] =	ssyncset.done $0x0  }
0x3a: {  	s29 =	simm.s32 $0x2;
	s31 =	rddreg [dreg:$0x10];
	[sflag:s0] =	ssyncadd.s32 $0xFFFFE000  }
0x3b: {  	[hbm4b:s31+s3] =	stream.linear.scatter [tilespmem:s12], [sflag:$0xB], $0x2000, $0x38;
	[tilespmem:$0x1A600] =	vst v63  }
0x3c: {  	_ =	swait.ge [sflag:s29], $0x2000  }
0x3d: {  	[sflag:s29] =	ssyncset.done $0x0  }
0x3e: {  	s31 =	simm.s32 $0x3;
	s7 =	rddreg [dreg:$0x13];
	[sflag:s29] =	ssyncadd.s32 $0xFFFFE000  }
0x3f: {  	[hbm4b:s7+s3] =	stream.linear.scatter [tilespmem:s14], [sflag:$0xC], $0x2000, $0x38;
	[tilespmem:$0x1A600] =	vst v63  }
0x40: {  	_ =	swait.ge [sflag:s31], $0x2000  }
0x41: {  	[sflag:s31] =	ssyncset.done $0x0  }
0x42: {  	s7 =	simm.s32 $0x4;
	s8 =	rddreg [dreg:$0x14];
	[sflag:s31] =	ssyncadd.s32 $0xFFFFE000  }
0x43: {  	[hbm4b:s8+s3] =	stream.linear.scatter [tilespmem:s16], [sflag:$0xD], $0x2000, $0x38;
	[tilespmem:$0x1A600] =	vst v63  }
0x44: {  	_ =	swait.ge [sflag:s7], $0x2000  }
0x45: {  	[sflag:s7] =	ssyncset.done $0x0  }
0x46: {  	s8 =	simm.s32 $0xB;
	s9 =	rddreg [dreg:$0x15];
	[sflag:s7] =	ssyncadd.s32 $0xFFFFE000  }
0x47: {  	[hbm4b:s9+s3] =	stream.linear.scatter [tilespmem:s17], [sflag:$0xE], $0x2000, $0x38;
	[tilespmem:$0x1A600] =	vst v63  }
0x48: {  	_ =	swait.ge [sflag:s8], $0x2000  }
0x49: {  	[sflag:s8] =	ssyncset.done $0x0  }
0x4a: {  	s9 =	simm.s32 $0xC;
	[sflag:s8] =	ssyncadd.s32 $0xFFFFE000  }
0x4b: {  	_ =	swait.ge [sflag:s9], $0x2000  }
0x4c: {  	[sflag:s9] =	ssyncset.done $0x0  }
0x4d: {  	[sflag:s9] =	ssyncadd.s32 $0xFFFFE000  }
0x4e: {  	_ =	swait.ge [sflag:s10], $0x2000  }
0x4f: {  	[sflag:s10] =	ssyncset.done $0x0  }
0x50: {  	[sflag:s10] =	ssyncadd.s32 $0xFFFFE000  }
0x51: {  	_ =	swait.ge [sflag:s11], $0x2000  }
0x52: {  	[sflag:s11] =	ssyncset.done $0x0  }
0x53: {  	[sflag:s11] =	ssyncadd.s32 $0xFFFFE000  }
0x54: {  	[tilespmem:s12], [sflag:$0x1] =	stream.indirect.gather [hbm4b:s5+s25], $0x40, s13, s25, $0xb8;
	[tilespmem:$0x1A600] =	vst v63  }
0x55: {  	s13 =	simm.s32 $0x280  }
0x56: {  	[tilespmem:s14], [sflag:$0x2] =	stream.indirect.gather [hbm4b:s5+s25], $0x40, s13, s25, $0xb8;
	[tilespmem:$0x1A600] =	vst v63  }
0x57: {  	s15 =	simm.s32 $0x300  }
0x58: {  	[tilespmem:s16], [sflag:$0x3] =	stream.indirect.gather [hbm4b:s5+s25], $0x40, s15, s25, $0xb8;
	[tilespmem:$0x1A600] =	vst v63  }
0x59: {  	s13 =	simm.s32 $0x380  }
0x5a: {  	[tilespmem:s17], [sflag:$0x4] =	stream.indirect.gather [hbm4b:s5+s25], $0x40, s13, s25, $0xb8;
	[tilespmem:$0x1A600] =	vst v63  }
0x5b: {  	s30 =	simm.s32 $0xE600;
	s15 =	simm.s32 $0x400  }
0x5c: {  	[tilespmem:s30], [sflag:$0x5] =	stream.indirect.gather [hbm4b:s5+s25], $0x40, s15, s25, $0xb8;
	[tilespmem:$0x1A600] =	vst v63  }
0x5d: {  	s13 =	simm.s32 $0x480;
	s15 =	simm.s32 $0x10600  }
0x5e: {  	[tilespmem:s15], [sflag:$0x6] =	stream.indirect.gather [hbm4b:s5+s25], $0x40, s13, s25, $0xb8;
	[tilespmem:$0x1A600] =	vst v63  }
0x5f: {  	s13 =	simm.s32 $0x500;
	s15 =	simm.s32 $0x12600  }
0x60: {  	[tilespmem:s15], [sflag:$0x7] =	stream.indirect.gather [hbm4b:s5+s25], $0x40, s13, s25, $0xb8;
	[tilespmem:$0x1A600] =	vst v63  }
0x61: {  	s13 =	simm.s32 $0x580;
	s15 =	simm.s32 $0x14600  }
0x62: {  	[tilespmem:s15], [sflag:$0x8] =	stream.indirect.gather [hbm4b:s5+s25], $0x40, s13, s25, $0xb8;
	[tilespmem:$0x1A600] =	vst v63  }
0x63: {  	s13 =	simm.s32 $0x600;
	s15 =	simm.s32 $0x16600  }
0x64: {  	[tilespmem:s15], [sflag:$0x9] =	stream.indirect.gather [hbm4b:s5+s25], $0x40, s13, s25, $0xb8;
	[tilespmem:$0x1A600] =	vst v63  }
0x65: {  	s13 =	simm.s32 $0x680;
	s15 =	simm.s32 $0x18600  }
0x66: {  	[tilespmem:s15], [sflag:$0xA] =	stream.indirect.gather [hbm4b:s5+s25], $0x40, s13, s25, $0xb8;
	[tilespmem:$0x1A600] =	vst v63  }
0x67: {  	_ =	swait.ge [sflag:s0], $0x2000  }
0x68: {  	[sflag:s0] =	ssyncset.done $0x0  }
0x69: {  	s1 =	rddreg [dreg:$0xe];
	[sflag:s0] =	ssyncadd.s32 $0xFFFFE000  }
0x6a: {  	s13 =	rddreg [dreg:$0x3]  }
0x6b: {  	s1 =	sadd.s32 s13, s1  }
0x6c: {  	[hbm4b:s1+s3] =	stream.linear.scatter [tilespmem:s12], [sflag:$0xB], $0x2000, $0x38;
	[tilespmem:$0x1A600] =	vst v63  }
0x6d: {  	_ =	swait.ge [sflag:s29], $0x2000  }
0x6e: {  	s0 =	rddreg [dreg:$0xd];
	[sflag:s29] =	ssyncset.done $0x0  }
0x6f: {  	[sflag:s29] =	ssyncadd.s32 $0xFFFFE000;
	s1 =	sadd.s32 s13, s0  }
0x70: {  	[hbm4b:s1+s3] =	stream.linear.scatter [tilespmem:s14], [sflag:$0xC], $0x2000, $0x38;
	[tilespmem:$0x1A600] =	vst v63  }
0x71: {  	_ =	swait.ge [sflag:s31], $0x2000  }
0x72: {  	s29 =	rddreg [dreg:$0xc];
	[sflag:s31] =	ssyncset.done $0x0  }
0x73: {  	[sflag:s31] =	ssyncadd.s32 $0xFFFFE000;
	s1 =	sadd.s32 s13, s29  }
0x74: {  	[hbm4b:s1+s3] =	stream.linear.scatter [tilespmem:s16], [sflag:$0xD], $0x2000, $0x38;
	[tilespmem:$0x1A600] =	vst v63  }
0x75: {  	_ =	swait.ge [sflag:s7], $0x2000  }
0x76: {  	s0 =	rddreg [dreg:$0xb];
	[sflag:s7] =	ssyncset.done $0x0  }
0x77: {  	[sflag:s7] =	ssyncadd.s32 $0xFFFFE000;
	s1 =	sadd.s32 s13, s0  }
0x78: {  	[hbm4b:s1+s3] =	stream.linear.scatter [tilespmem:s17], [sflag:$0xE], $0x2000, $0x38;
	[tilespmem:$0x1A600] =	vst v63  }
0x79: {  	_ =	swait.ge [sflag:s18], $0x2000  }
0x7a: {  	s29 =	rddreg [dreg:$0xa];
	[sflag:s18] =	ssyncset.done $0x0  }
0x7b: {  	[sflag:s18] =	ssyncadd.s32 $0xFFFFE000;
	s1 =	sadd.s32 s13, s29  }
0x7c: {  	[hbm4b:s1+s3] =	stream.linear.scatter [tilespmem:s30], [sflag:$0xF], $0x2000, $0x38;
	[tilespmem:$0x1A600] =	vst v63  }
0x7d: {  	_ =	swait.ge [sflag:s19], $0x2000  }
0x7e: {  	s31 =	rddreg [dreg:$0x9];
	[sflag:s19] =	ssyncset.done $0x0  }
0x7f: {  	[sflag:s19] =	ssyncadd.s32 $0xFFFFE000;
	s1 =	sadd.s32 s13, s31;
	s31 =	simm.s32 $0x10600  }
0x80: {  	[hbm4b:s1+s3] =	stream.linear.scatter [tilespmem:s31], [sflag:$0x10], $0x2000, $0x38;
	[tilespmem:$0x1A600] =	vst v63  }
0x81: {  	_ =	swait.ge [sflag:s24], $0x2000  }
0x82: {  	s0 =	rddreg [dreg:$0x8];
	[sflag:s24] =	ssyncset.done $0x0  }
0x83: {  	s29 =	simm.s32 $0x12600;
	[sflag:s24] =	ssyncadd.s32 $0xFFFFE000;
	s1 =	sadd.s32 s13, s0  }
0x84: {  	[hbm4b:s1+s3] =	stream.linear.scatter [tilespmem:s29], [sflag:$0x11], $0x2000, $0x38;
	[tilespmem:$0x1A600] =	vst v63  }
0x85: {  	_ =	swait.ge [sflag:s20], $0x2000  }
0x86: {  	s7 =	rddreg [dreg:$0x7];
	[sflag:s20] =	ssyncset.done $0x0  }
0x87: {  	[sflag:s20] =	ssyncadd.s32 $0xFFFFE000;
	s1 =	sadd.s32 s13, s7;
	s7 =	simm.s32 $0x14600  }
0x88: {  	[hbm4b:s1+s3] =	stream.linear.scatter [tilespmem:s7], [sflag:$0x12], $0x2000, $0x38;
	[tilespmem:$0x1A600] =	vst v63  }
0x89: {  	_ =	swait.ge [sflag:s21], $0x2000  }
0x8a: {  	s0 =	rddreg [dreg:$0x6];
	[sflag:s21] =	ssyncset.done $0x0  }
0x8b: {  	[sflag:s21] =	ssyncadd.s32 $0xFFFFE000;
	s1 =	sadd.s32 s13, s0;
	s0 =	simm.s32 $0x16600  }
0x8c: {  	[hbm4b:s1+s3] =	stream.linear.scatter [tilespmem:s0], [sflag:$0x13], $0x2000, $0x38;
	[tilespmem:$0x1A600] =	vst v63  }
0x8d: {  	_ =	swait.ge [sflag:s22], $0x2000  }
0x8e: {  	s1 =	rddreg [dreg:$0x5];
	[sflag:s22] =	ssyncset.done $0x0  }
0x8f: {  	[sflag:s22] =	ssyncadd.s32 $0xFFFFE000;
	s1 =	sadd.s32 s13, s1  }
0x90: {  	[hbm4b:s1+s3] =	stream.linear.scatter [tilespmem:s15], [sflag:$0x14], $0x2000, $0x38;
	[tilespmem:$0x1A600] =	vst v63  }
0x91: {  	_ =	swait.ge [sflag:s8], $0x2000  }
0x92: {  	[sflag:s8] =	ssyncset.done $0x0  }
0x93: {  	[sflag:s8] =	ssyncadd.s32 $0xFFFFE000;
	s8 =	simm.s32 $0x700  }
0x94: {  	[tilespmem:s12], [sflag:$0x1] =	stream.indirect.gather [hbm4b:s5+s25], $0x40, s8, s25, $0xb8;
	[tilespmem:$0x1A600] =	vst v63  }
0x95: {  	_ =	swait.ge [sflag:s9], $0x2000  }
0x96: {  	[sflag:s9] =	ssyncset.done $0x0  }
0x97: {  	[sflag:s9] =	ssyncadd.s32 $0xFFFFE000;
	s9 =	simm.s32 $0x780  }
0x98: {  	[tilespmem:s14], [sflag:$0x2] =	stream.indirect.gather [hbm4b:s5+s25], $0x40, s9, s25, $0xb8;
	[tilespmem:$0x1A600] =	vst v63  }
0x99: {  	_ =	swait.ge [sflag:s10], $0x2000  }
0x9a: {  	[sflag:s10] =	ssyncset.done $0x0  }
0x9b: {  	s12 =	simm.s32 $0x800;
	[sflag:s10] =	ssyncadd.s32 $0xFFFFE000  }
0x9c: {  	[tilespmem:s16], [sflag:$0x3] =	stream.indirect.gather [hbm4b:s5+s25], $0x40, s12, s25, $0xb8;
	[tilespmem:$0x1A600] =	vst v63  }
0x9d: {  	_ =	swait.ge [sflag:s11], $0x2000  }
0x9e: {  	[sflag:s11] =	ssyncset.done $0x0  }
0x9f: {  	s14 =	simm.s32 $0x880;
	[sflag:s11] =	ssyncadd.s32 $0xFFFFE000  }
0xa0: {  	[tilespmem:s17], [sflag:$0x4] =	stream.indirect.gather [hbm4b:s5+s25], $0x40, s14, s25, $0xb8;
	[tilespmem:$0x1A600] =	vst v63  }
0xa1: {  	_ =	swait.ge [sflag:s6], $0x2000  }
0xa2: {  	[sflag:s6] =	ssyncset.done $0x0  }
0xa3: {  	s15 =	simm.s32 $0x900;
	[sflag:s6] =	ssyncadd.s32 $0xFFFFE000  }
0xa4: {  	[tilespmem:s30], [sflag:$0x5] =	stream.indirect.gather [hbm4b:s5+s25], $0x40, s15, s25, $0xb8;
	[tilespmem:$0x1A600] =	vst v63  }
0xa5: {  	_ =	swait.ge [sflag:s23], $0x2000  }
0xa6: {  	[sflag:s23] =	ssyncset.done $0x0  }
0xa7: {  	s16 =	simm.s32 $0x980;
	[sflag:s23] =	ssyncadd.s32 $0xFFFFE000  }
0xa8: {  	[tilespmem:s31], [sflag:$0x6] =	stream.indirect.gather [hbm4b:s5+s25], $0x40, s16, s25, $0xb8;
	[tilespmem:$0x1A600] =	vst v63  }
0xa9: {  	_ =	swait.ge [sflag:s4], $0x2000  }
0xaa: {  	[sflag:s4] =	ssyncset.done $0x0  }
0xab: {  	s17 =	simm.s32 $0xA00;
	[sflag:s4] =	ssyncadd.s32 $0xFFFFE000  }
0xac: {  	[tilespmem:s29], [sflag:$0x7] =	stream.indirect.gather [hbm4b:s5+s25], $0x40, s17, s25, $0xb8;
	[tilespmem:$0x1A600] =	vst v63  }
0xad: {  	_ =	swait.ge [sflag:s2], $0x2000  }
0xae: {  	[sflag:s2] =	ssyncset.done $0x0  }
0xaf: {  	s29 =	simm.s32 $0xA80;
	[sflag:s2] =	ssyncadd.s32 $0xFFFFE000  }
0xb0: {  	[tilespmem:s7], [sflag:$0x8] =	stream.indirect.gather [hbm4b:s5+s25], $0x40, s29, s25, $0xb8;
	[tilespmem:$0x1A600] =	vst v63  }
0xb1: {  	_ =	swait.ge [sflag:s26], $0x2000  }
0xb2: {  	[sflag:s26] =	ssyncset.done $0x0  }
0xb3: {  	s31 =	simm.s32 $0xB00;
	[sflag:s26] =	ssyncadd.s32 $0xFFFFE000  }
0xb4: {  	[tilespmem:s0], [sflag:$0x9] =	stream.indirect.gather [hbm4b:s5+s25], $0x40, s31, s25, $0xb8;
	[tilespmem:$0x1A600] =	vst v63  }
0xb5: {  	_ =	swait.ge [sflag:s28], $0x2000  }
0xb6: {  	s1 =	sadd.s32 $0x2800, s13;
	[sflag:s28] =	ssyncset.done $0x0  }
0xb7: {  	s12 =	simm.s32 $0xB80;
	s30 =	simm.s32 $0x1400;
	[sflag:s28] =	ssyncadd.s32 $0xFFFFE000  }
.LBB2_2:
0xb8: {  	s15 =	simm.s32 $0x18600;
	s0 =	simm.s32 $0x1  }
0xb9: {  	[tilespmem:s15], [sflag:$0xA] =	stream.indirect.gather [hbm4b:s5+s25], $0x40, s12, s25, $0xb8;
	[tilespmem:$0x1A600] =	vst v63  }
0xba: {  	_ =	swait.ge [sflag:s0], $0x2000  }
0xbb: {  	s14 =	simm.s32 $0x6600;
	s13 =	rddreg [dreg:$0xe];
	[sflag:s0] =	ssyncset.done $0x0  }
0xbc: {  	s17 =	simm.s32 $0x2;
	[sflag:s0] =	ssyncadd.s32 $0xFFFFE000;
	s13 =	sadd.s32 s1, s13  }
0xbd: {  	[hbm4b:s13+s3] =	stream.linear.scatter [tilespmem:s14], [sflag:$0xB], $0x2000, $0x38;
	[tilespmem:$0x1A600] =	vst v63  }
0xbe: {  	_ =	swait.ge [sflag:s17], $0x2000  }
0xbf: {  	s16 =	simm.s32 $0x8600;
	s7 =	rddreg [dreg:$0xd];
	[sflag:s17] =	ssyncset.done $0x0  }
0xc0: {  	s8 =	simm.s32 $0x3;
	[sflag:s17] =	ssyncadd.s32 $0xFFFFE000;
	s13 =	sadd.s32 s1, s7  }
0xc1: {  	[hbm4b:s13+s3] =	stream.linear.scatter [tilespmem:s16], [sflag:$0xC], $0x2000, $0x38;
	[tilespmem:$0x1A600] =	vst v63  }
0xc2: {  	_ =	swait.ge [sflag:s8], $0x2000  }
0xc3: {  	s9 =	rddreg [dreg:$0xc];
	[sflag:s8] =	ssyncset.done $0x0  }
0xc4: {  	s17 =	simm.s32 $0xA600;
	[sflag:s8] =	ssyncadd.s32 $0xFFFFE000;
	s13 =	sadd.s32 s1, s9  }
0xc5: {  	[hbm4b:s13+s3] =	stream.linear.scatter [tilespmem:s17], [sflag:$0xD], $0x2000, $0x38;
	[tilespmem:$0x1A600] =	vst v63  }
0xc6: {  	s13 =	simm.s32 $0x4  }
0xc7: {  	_ =	swait.ge [sflag:s13], $0x2000  }
0xc8: {  	s7 =	rddreg [dreg:$0xb];
	[sflag:s13] =	ssyncset.done $0x0  }
0xc9: {  	s0 =	simm.s32 $0xC600;
	[sflag:s13] =	ssyncadd.s32 $0xFFFFE000;
	s13 =	sadd.s32 s1, s7  }
0xca: {  	[hbm4b:s13+s3] =	stream.linear.scatter [tilespmem:s0], [sflag:$0xE], $0x2000, $0x38;
	[tilespmem:$0x1A600] =	vst v63  }
0xcb: {  	_ =	swait.ge [sflag:s18], $0x2000  }
0xcc: {  	s8 =	rddreg [dreg:$0xa];
	[sflag:s18] =	ssyncset.done $0x0  }
0xcd: {  	s29 =	simm.s32 $0xE600;
	[sflag:s18] =	ssyncadd.s32 $0xFFFFE000;
	s13 =	sadd.s32 s1, s8  }
0xce: {  	[hbm4b:s13+s3] =	stream.linear.scatter [tilespmem:s29], [sflag:$0xF], $0x2000, $0x38;
	[tilespmem:$0x1A600] =	vst v63  }
0xcf: {  	_ =	swait.ge [sflag:s19], $0x2000  }
0xd0: {  	s9 =	rddreg [dreg:$0x9];
	[sflag:s19] =	ssyncset.done $0x0  }
0xd1: {  	s31 =	simm.s32 $0x10600;
	[sflag:s19] =	ssyncadd.s32 $0xFFFFE000;
	s13 =	sadd.s32 s1, s9  }
0xd2: {  	[hbm4b:s13+s3] =	stream.linear.scatter [tilespmem:s31], [sflag:$0x10], $0x2000, $0x38;
	[tilespmem:$0x1A600] =	vst v63  }
0xd3: {  	_ =	swait.ge [sflag:s24], $0x2000  }
0xd4: {  	s7 =	rddreg [dreg:$0x8];
	[sflag:s24] =	ssyncset.done $0x0  }
0xd5: {  	[sflag:s24] =	ssyncadd.s32 $0xFFFFE000;
	s13 =	sadd.s32 s1, s7;
	s7 =	simm.s32 $0x12600  }
0xd6: {  	[hbm4b:s13+s3] =	stream.linear.scatter [tilespmem:s7], [sflag:$0x11], $0x2000, $0x38;
	[tilespmem:$0x1A600] =	vst v63  }
0xd7: {  	_ =	swait.ge [sflag:s20], $0x2000  }
0xd8: {  	s8 =	rddreg [dreg:$0x7];
	[sflag:s20] =	ssyncset.done $0x0  }
0xd9: {  	[sflag:s20] =	ssyncadd.s32 $0xFFFFE000;
	s13 =	sadd.s32 s1, s8;
	s8 =	simm.s32 $0x14600  }
0xda: {  	[hbm4b:s13+s3] =	stream.linear.scatter [tilespmem:s8], [sflag:$0x12], $0x2000, $0x38;
	[tilespmem:$0x1A600] =	vst v63  }
0xdb: {  	_ =	swait.ge [sflag:s21], $0x2000  }
0xdc: {  	s9 =	rddreg [dreg:$0x6];
	[sflag:s21] =	ssyncset.done $0x0  }
0xdd: {  	[sflag:s21] =	ssyncadd.s32 $0xFFFFE000;
	s13 =	sadd.s32 s1, s9;
	s9 =	simm.s32 $0x16600  }
0xde: {  	[hbm4b:s13+s3] =	stream.linear.scatter [tilespmem:s9], [sflag:$0x13], $0x2000, $0x38;
	[tilespmem:$0x1A600] =	vst v63  }
0xdf: {  	_ =	swait.ge [sflag:s22], $0x2000  }
0xe0: {  	s13 =	rddreg [dreg:$0x5];
	[sflag:s22] =	ssyncset.done $0x0  }
0xe1: {  	[sflag:s22] =	ssyncadd.s32 $0xFFFFE000;
	s13 =	sadd.s32 s1, s13  }
0xe2: {  	[hbm4b:s13+s3] =	stream.linear.scatter [tilespmem:s15], [sflag:$0x14], $0x2000, $0x38;
	[tilespmem:$0x1A600] =	vst v63  }
0xe3: {  	s15 =	simm.s32 $0xB  }
0xe4: {  	s12 =	smov.u32 s30;
	_ =	swait.ge [sflag:s15], $0x2000  }
0xe5: {  	s12 =	sshra.s32 s12, $0x2;
	[sflag:s15] =	ssyncset.done $0x0  }
0xe6: {  	s13 =	sadd.s32 $0x700, s12;
	[sflag:s15] =	ssyncadd.s32 $0xFFFFE000  }
0xe7: {  	[tilespmem:s14], [sflag:$0x1] =	stream.indirect.gather [hbm4b:s5+s25], $0x40, s13, s25, $0xb8;
	[tilespmem:$0x1A600] =	vst v63  }
0xe8: {  	s14 =	simm.s32 $0xC  }
0xe9: {  	_ =	swait.ge [sflag:s14], $0x2000  }
0xea: {  	[sflag:s14] =	ssyncset.done $0x0  }
0xeb: {  	s13 =	sadd.s32 $0x780, s12;
	[sflag:s14] =	ssyncadd.s32 $0xFFFFE000  }
0xec: {  	[tilespmem:s16], [sflag:$0x2] =	stream.indirect.gather [hbm4b:s5+s25], $0x40, s13, s25, $0xb8;
	[tilespmem:$0x1A600] =	vst v63  }
0xed: {  	_ =	swait.ge [sflag:s10], $0x2000  }
0xee: {  	[sflag:s10] =	ssyncset.done $0x0  }
0xef: {  	s13 =	sadd.s32 $0x800, s12;
	[sflag:s10] =	ssyncadd.s32 $0xFFFFE000  }
0xf0: {  	[tilespmem:s17], [sflag:$0x3] =	stream.indirect.gather [hbm4b:s5+s25], $0x40, s13, s25, $0xb8;
	[tilespmem:$0x1A600] =	vst v63  }
0xf1: {  	_ =	swait.ge [sflag:s11], $0x2000  }
0xf2: {  	[sflag:s11] =	ssyncset.done $0x0  }
0xf3: {  	s13 =	sadd.s32 $0x880, s12;
	[sflag:s11] =	ssyncadd.s32 $0xFFFFE000  }
0xf4: {  	[tilespmem:s0], [sflag:$0x4] =	stream.indirect.gather [hbm4b:s5+s25], $0x40, s13, s25, $0xb8;
	[tilespmem:$0x1A600] =	vst v63  }
0xf5: {  	_ =	swait.ge [sflag:s6], $0x2000  }
0xf6: {  	[sflag:s6] =	ssyncset.done $0x0  }
0xf7: {  	s13 =	sadd.s32 $0x900, s12;
	[sflag:s6] =	ssyncadd.s32 $0xFFFFE000  }
0xf8: {  	[tilespmem:s29], [sflag:$0x5] =	stream.indirect.gather [hbm4b:s5+s25], $0x40, s13, s25, $0xb8;
	[tilespmem:$0x1A600] =	vst v63  }
0xf9: {  	_ =	swait.ge [sflag:s23], $0x2000  }
0xfa: {  	[sflag:s23] =	ssyncset.done $0x0  }
0xfb: {  	s13 =	sadd.s32 $0x980, s12;
	[sflag:s23] =	ssyncadd.s32 $0xFFFFE000  }
0xfc: {  	[tilespmem:s31], [sflag:$0x6] =	stream.indirect.gather [hbm4b:s5+s25], $0x40, s13, s25, $0xb8;
	[tilespmem:$0x1A600] =	vst v63  }
0xfd: {  	_ =	swait.ge [sflag:s4], $0x2000  }
0xfe: {  	[sflag:s4] =	ssyncset.done $0x0  }
0xff: {  	s13 =	sadd.s32 $0xA00, s12;
	[sflag:s4] =	ssyncadd.s32 $0xFFFFE000  }
0x100: {  	[tilespmem:s7], [sflag:$0x7] =	stream.indirect.gather [hbm4b:s5+s25], $0x40, s13, s25, $0xb8;
	[tilespmem:$0x1A600] =	vst v63  }
0x101: {  	_ =	swait.ge [sflag:s2], $0x2000  }
0x102: {  	p0 =	sne.s32 s30, $0x16800;
	s30 =	sadd.s32 $0x1400, s30;
	[sflag:s2] =	ssyncset.done $0x0  }
0x103: {  	s1 =	sadd.s32 $0x2800, s1;
	s13 =	sadd.s32 $0xA80, s12;
	[sflag:s2] =	ssyncadd.s32 $0xFFFFE000  }
0x104: {  	[tilespmem:s8], [sflag:$0x8] =	stream.indirect.gather [hbm4b:s5+s25], $0x40, s13, s25, $0xb8;
	[tilespmem:$0x1A600] =	vst v63  }
0x105: {  	s15 =	simm.s32 $0x6600;
	s14 =	simm.s32 $0x8600;
	_ =	swait.ge [sflag:s26], $0x2000  }
0x106: {  	s16 =	simm.s32 $0xA600;
	s17 =	simm.s32 $0xC600;
	[sflag:s26] =	ssyncset.done $0x0  }
.Ltmp0:
0x107: {  	s13 =	sadd.s32 $0xB00, s12;
	[sflag:s26] =	ssyncadd.s32 $0xFFFFE000;
	(pc) =	sbr.rel @p0 .LBB2_2-.Ltmp0, $4  }
0x108: {  	[tilespmem:s9], [sflag:$0x9] =	stream.indirect.gather [hbm4b:s5+s25], $0x40, s13, s25, $0xb8;
	[tilespmem:$0x1A600] =	vst v63  }
0x109: {  	s0 =	simm.s32 $0xE600;
	s29 =	simm.s32 $0x10600;
	_ =	swait.ge [sflag:s28], $0x2000  }
0x10a: {  	s31 =	simm.s32 $0x12600;
	s7 =	simm.s32 $0x14600;
	[sflag:s28] =	ssyncset.done $0x0  }
0x10b: {  	s8 =	simm.s32 $0x16600;
	s12 =	sadd.s32 $0xB80, s12;
	[sflag:s28] =	ssyncadd.s32 $0xFFFFE000  }
0x10c: {  	s9 =	simm.s32 $0x18600;
	s1 =	simm.s32 $0x1  }
0x10d: {  	[tilespmem:s9], [sflag:$0xA] =	stream.indirect.gather [hbm4b:s5+s25], $0x40, s12, s25, $0xb8;
	[tilespmem:$0x1A600] =	vst v63  }
0x10e: {  	_ =	swait.ge [sflag:s1], $0x2000  }
0x10f: {  	[sflag:s1] =	ssyncset.done $0x0  }
0x110: {  	s30 =	simm.s32 $0x2;
	s13 =	rddreg [dreg:$0x16];
	[sflag:s1] =	ssyncadd.s32 $0xFFFFE000  }
0x111: {  	[hbm4b:s13+s3] =	stream.linear.scatter [tilespmem:s15], [sflag:$0xB], $0x2000, $0x38;
	[tilespmem:$0x1A600] =	vst v63  }
0x112: {  	_ =	swait.ge [sflag:s30], $0x2000  }
0x113: {  	[sflag:s30] =	ssyncset.done $0x0  }
0x114: {  	s13 =	simm.s32 $0x3;
	s12 =	rddreg [dreg:$0x17];
	[sflag:s30] =	ssyncadd.s32 $0xFFFFE000  }
0x115: {  	[hbm4b:s12+s3] =	stream.linear.scatter [tilespmem:s14], [sflag:$0xC], $0x2000, $0x38;
	[tilespmem:$0x1A600] =	vst v63  }
0x116: {  	_ =	swait.ge [sflag:s13], $0x2000  }
0x117: {  	[sflag:s13] =	ssyncset.done $0x0  }
0x118: {  	s15 =	simm.s32 $0x4;
	s14 =	rddreg [dreg:$0x18];
	[sflag:s13] =	ssyncadd.s32 $0xFFFFE000  }
0x119: {  	[hbm4b:s14+s3] =	stream.linear.scatter [tilespmem:s16], [sflag:$0xD], $0x2000, $0x38;
	[tilespmem:$0x1A600] =	vst v63  }
0x11a: {  	_ =	swait.ge [sflag:s15], $0x2000  }
0x11b: {  	[sflag:s15] =	ssyncset.done $0x0  }
0x11c: {  	s16 =	rddreg [dreg:$0x19];
	[sflag:s15] =	ssyncadd.s32 $0xFFFFE000  }
0x11d: {  	[hbm4b:s16+s3] =	stream.linear.scatter [tilespmem:s17], [sflag:$0xE], $0x2000, $0x38;
	[tilespmem:$0x1A600] =	vst v63  }
0x11e: {  	_ =	swait.ge [sflag:s18], $0x2000  }
0x11f: {  	[sflag:s18] =	ssyncset.done $0x0  }
0x120: {  	s30 =	rddreg [dreg:$0x1a];
	[sflag:s18] =	ssyncadd.s32 $0xFFFFE000  }
0x121: {  	[hbm4b:s30+s3] =	stream.linear.scatter [tilespmem:s0], [sflag:$0xF], $0x2000, $0x38;
	[tilespmem:$0x1A600] =	vst v63  }
0x122: {  	_ =	swait.ge [sflag:s19], $0x2000  }
0x123: {  	[sflag:s19] =	ssyncset.done $0x0  }
0x124: {  	s12 =	rddreg [dreg:$0x1b];
	[sflag:s19] =	ssyncadd.s32 $0xFFFFE000  }
0x125: {  	[hbm4b:s12+s3] =	stream.linear.scatter [tilespmem:s29], [sflag:$0x10], $0x2000, $0x38;
	[tilespmem:$0x1A600] =	vst v63  }
0x126: {  	_ =	swait.ge [sflag:s24], $0x2000  }
0x127: {  	[sflag:s24] =	ssyncset.done $0x0  }
0x128: {  	s13 =	rddreg [dreg:$0x1c];
	[sflag:s24] =	ssyncadd.s32 $0xFFFFE000  }
0x129: {  	[hbm4b:s13+s3] =	stream.linear.scatter [tilespmem:s31], [sflag:$0x11], $0x2000, $0x38;
	[tilespmem:$0x1A600] =	vst v63  }
0x12a: {  	_ =	swait.ge [sflag:s20], $0x2000  }
0x12b: {  	[sflag:s20] =	ssyncset.done $0x0  }
0x12c: {  	s14 =	rddreg [dreg:$0x1d];
	[sflag:s20] =	ssyncadd.s32 $0xFFFFE000  }
0x12d: {  	[hbm4b:s14+s3] =	stream.linear.scatter [tilespmem:s7], [sflag:$0x12], $0x2000, $0x38;
	[tilespmem:$0x1A600] =	vst v63  }
0x12e: {  	_ =	swait.ge [sflag:s21], $0x2000  }
0x12f: {  	[sflag:s21] =	ssyncset.done $0x0  }
0x130: {  	s15 =	rddreg [dreg:$0x1e];
	[sflag:s21] =	ssyncadd.s32 $0xFFFFE000  }
0x131: {  	[hbm4b:s15+s3] =	stream.linear.scatter [tilespmem:s8], [sflag:$0x13], $0x2000, $0x38;
	[tilespmem:$0x1A600] =	vst v63  }
0x132: {  	_ =	swait.ge [sflag:s22], $0x2000  }
0x133: {  	[sflag:s22] =	ssyncset.done $0x0  }
0x134: {  	s17 =	simm.s32 $0xB;
	s16 =	rddreg [dreg:$0x1f];
	[sflag:s22] =	ssyncadd.s32 $0xFFFFE000  }
0x135: {  	[hbm4b:s16+s3] =	stream.linear.scatter [tilespmem:s9], [sflag:$0x14], $0x2000, $0x38;
	[tilespmem:$0x1A600] =	vst v63  }
0x136: {  	_ =	swait.ge [sflag:s17], $0x2000  }
0x137: {  	[sflag:s17] =	ssyncset.done $0x0  }
0x138: {  	s29 =	simm.s32 $0xC;
	[sflag:s17] =	ssyncadd.s32 $0xFFFFE000  }
0x139: {  	_ =	swait.ge [sflag:s29], $0x2000  }
0x13a: {  	[sflag:s29] =	ssyncset.done $0x0  }
0x13b: {  	[sflag:s29] =	ssyncadd.s32 $0xFFFFE000  }
0x13c: {  	_ =	swait.ge [sflag:s10], $0x2000  }
0x13d: {  	[sflag:s10] =	ssyncset.done $0x0  }
0x13e: {  	[sflag:s10] =	ssyncadd.s32 $0xFFFFE000  }
0x13f: {  	_ =	swait.ge [sflag:s11], $0x2000  }
0x140: {  	[sflag:s11] =	ssyncset.done $0x0  }
0x141: {  	[sflag:s11] =	ssyncadd.s32 $0xFFFFE000  }
0x142: {  	_ =	swait.ge [sflag:s6], $0x2000  }
0x143: {  	[sflag:s6] =	ssyncset.done $0x0  }
0x144: {  	[sflag:s6] =	ssyncadd.s32 $0xFFFFE000  }
0x145: {  	_ =	swait.ge [sflag:s23], $0x2000  }
0x146: {  	[sflag:s23] =	ssyncset.done $0x0  }
0x147: {  	[sflag:s23] =	ssyncadd.s32 $0xFFFFE000  }
0x148: {  	_ =	swait.ge [sflag:s4], $0x2000  }
0x149: {  	[sflag:s4] =	ssyncset.done $0x0  }
0x14a: {  	[sflag:s4] =	ssyncadd.s32 $0xFFFFE000  }
0x14b: {  	_ =	swait.ge [sflag:s2], $0x2000  }
0x14c: {  	[sflag:s2] =	ssyncset.done $0x0  }
0x14d: {  	[sflag:s2] =	ssyncadd.s32 $0xFFFFE000  }
0x14e: {  	_ =	swait.ge [sflag:s26], $0x2000  }
0x14f: {  	[sflag:s26] =	ssyncset.done $0x0  }
0x150: {  	[sflag:s26] =	ssyncadd.s32 $0xFFFFE000  }
0x151: {  	_ =	swait.ge [sflag:s28], $0x2000  }
0x152: {  	s30 =	sld [smem:$0x7FC]  }
0x153: {  	s31 =	sld [smem:$0x7FD];
	_ =	sdelay $0x1  }
0x154: {  	s0 =	sadd.s32 $0x1, s30  }
0x155: {  	p0 =	sne.s32 s0, s31  }
.Ltmp1:
0x156: {  	_ = 	snop;
	(pc) =	sbr.rel @p0 .LBB2_1-.Ltmp1, $3  }
0x157: {  	_ =	sdelay $0x1  }
0x158: {  	[sflag:s28] =	ssyncset.done $0x0  }
0x159: {  	[sflag:s28] =	ssyncadd.s32 $0xFFFFE000  }
0x15a: {  	_ =	sfence.sel $0x180000  }
0x15b: {  	[bflag:$0x0] =	sbarrier.arrive $0xFFFF  }
0x15c: {  	_ =	strace $0x90000047  }
0x15d: {  	s0 =	stileid.u32;
	[bflag:$0x2] =	sbarrier.arrive $0xFFFF  }
0x15e: {  	p0 =	sne.s32 s0, $0x0;
	s0 =	rddreg [dreg:$0x4]  }
0x15f: {  	s0 =	sadd.s32 @!p0 $0x100000, s0  }
0x160: {  	[sflag:s0] =	ssyncadd.tile.s32 @!p0 $0x1;
	_ =	shalt  }
.Lfunc_end2:
_tile_overlayer_lowered:
.L_overlay_start_2:
0x161: {  	(tag) =	ssettag $0x2  }
0x162: {  	s0 =	rddreg [dreg:$0x0];
	s2 =	stileid.u32  }
0x163: {  	s1 =	rddreg [dreg:$0x1];
	p0 =	sne.s32 s2, $0x0  }
0x164: {  	s3 =	rddreg [dreg:$0x2];
	[bflag:$0x3] =	sbarrier.arrive $0xFFFF;
	s2 =	simm.s32 @!p0 $0x1C15  }
0x165: {  	[timem:s3], [sflag:s2] =	dma.local @!p0 [hbm:s0], s1  }
0x166: {  	s0 =	simm.s32 @!p0 $0x15  }
0x167: {  	_ =	swait.ge @!p0 [sflag:s0], s1  }
0x168: {  	s1 =	ssub.s32 @!p0 $0x0, s1;
	[sflag:s0] =	ssyncset.done @!p0 $0x0  }
0x169: {  	[sflag:s0] =	ssyncadd.s32 @!p0 s1  }
0x16a: {  	[bflag:$0x3] =	sbarrier.arrive $0xFFFF  }
0x16b: {  	_ =	shalt  }

// kernel: sparse-core-data-format-call.cloned.1.call-start
scs
called_computation_lowered:
.L_overlay_start_0:
0x0: {  	s2 =	sld [smem:$0x3FD9]  }
0x1: {  	s3 =	sld [smem:$0x3FFE];
	_ =	sdelay $0x1  }
0x2: {  	s1 =	srdreg.scid  }
0x3: {  	s0 =	sand.u32 $0x1, s1  }
0x4: {  	s15 =	sshll.u32 s0, $0xA;
	s2 =	sadd.s32 s3, s2  }
0x5: {  	s2 =	sadd.s32 s2, s15  }
0x6: {  	[smem:$0x3FC3] =	sst s2  }
0x7: {  	_ = 	snop  }
0x8: {  	s2 =	sld [smem:$0x3FD0];
	_ =	sdelay $0x2  }
0x9: {  	s16 =	simm.s32 $0xA;
	s4 =	simm.s32 $0x10  }
0xa: {  	[smem:s4], [sflag:s16] =	dma.local [hbm:s2], $0x1  }
0xb: {  	_ =	swait.eq [sflag:s16], $0x1  }
0xc: {  	[sflag:s16] =	ssyncset.done $0x0  }
0xd: {  	[sflag:s16] =	ssyncadd.s32 $0xFFFFFFFF  }
0xe: {  	s17 =	sld [smem:$0x11];
	(tm) =	ssettm $0x1  }
0xf: {  	s18 =	sld [smem:$0x3FFB];
	_ =	sdelay $0x3  }
0x10: {  	_ =	strace s18  }
0x11: {  	s3 =	sld [smem:$0x3FFC];
	_ =	sdelay $0x3  }
0x12: {  	_ =	strace s3  }
0x13: {  	s3 =	sld [smem:$0x3FFD];
	_ =	sdelay $0x3  }
0x14: {  	_ =	strace s3  }
0x15: {  	_ =	strace $0x8FFFFFFF  }
0x16: {  	s19 =	sld [smem:$0x3FDB];
	_ =	sdelay $0x1  }
0x17: {  	s20 =	simm.s32 $_scs_section_size  }
0x18: {  	s5 =	simm.s32 $_size__tile_overlayer_lowered;
	s6 =	simm.s32 $_tile_overlayer_lowered  }
0x19: {  	s23 =	simm.s32 $0x1BFF;
	s22 =	sshll.u32 s6, $0x1;
	s3 =	sadd.s32 s20, s19  }
0x1a: {  	s7 =	simm.s32 $0x0;
	s21 =	sshll.u32 s5, $0x1;
	s5 =	sadd.s32 s22, s3  }
0x1b: {  	[timem:s7], [sflag:s23] =	dma.local [hbm:s5], s21  }
0x1c: {  	_ =	swait.ge [sflag:s23], s21  }
0x1d: {  	s4 =	ssub.s32 $0x0, s21;
	[sflag:s23] =	ssyncset.done $0x0  }
0x1e: {  	[sflag:s23] =	ssyncadd.s32 s4;
	_ =	sdelay $0x1  }
0x1f: {  	s24 =	simm.s32 $0x1B8B  }
0x20: {  	_ =	swait.ge [sflag:s24], $0x1  }
0x21: {  	[sflag:s24] =	ssyncset.done $0x0  }
0x22: {  	s26 =	simm.s32 $0x1B8E;
	s25 =	sld [smem:$0x3FFE];
	[sflag:s24] =	ssyncadd.s32 $0xFFFFFFFF  }
0x23: {  	s27 =	simm.s32 $execute0_lowered;
	[smem:$0x3FD2] =	sst s26  }
0x24: {  	s5 =	sshll.u32 s27, $0x1;
	_ =	strace $0x80000049;
	[dreg:$0x1] =	wrdreg $0xFFFFFFFF  }
0x25: {  	s28 =	simm.s32 $_size_execute0_lowered;
	s3 =	sadd.s32 s3, s5;
	[dreg:$0x0] =	wrdreg $0x0  }
0x26: {  	s5 =	sshll.u32 s28, $0x1;
	[dreg:$0x2] =	wrdreg s3  }
0x27: {  	[dreg:$0x3] =	wrdreg s5  }
0x28: {  	[dreg:$0x4] =	wrdreg $0xC0  }
0x29: {  	_ =	task [dreg:s7], $0x5FFFF  }
0x2a: {  	[dreg:$0x1] =	wrdreg $0xFFFFFFFF  }
0x2b: {  	[dreg:$0x0] =	wrdreg $0x60  }
0x2c: {  	[dreg:$0x2] =	wrdreg s25  }
0x2d: {  	[dreg:$0x3] =	wrdreg s17  }
0x2e: {  	[dreg:$0x4] =	wrdreg $0x9  }
0x2f: {  	_ =	task.clear_ibuf [dreg:s7], $0x5FFFF;
	_ =	strace $0x90000049  }
0x30: {  	s29 =	simm.s32 $0x9;
	_ =	strace $0x8000004B  }
0x31: {  	_ =	swait.ge [sflag:s29], $0x1  }
0x32: {  	[sflag:s29] =	ssyncadd.s32 $0xFFFFFFFF  }
0x33: {  	_ =	strace $0x9000004B  }
0x34: {  	_ =	sfence  }
0x35: {  	s30 =	sld [smem:$0x0];
	_ =	sdelay $0x2  }
0x36: {  	s31 =	sshll.u32 s1, $0xD;
	s1 =	sshrl.u32 s1, $0x2  }
0x37: {  	s3 =	sand.u32 $0x4000, s31;
	s1 =	sadd.s32 s1, s30  }
0x38: {  	s0 =	sor.u32 s3, s0;
	s1 =	sshll.u32 s1, $0x11  }
0x39: {  	s0 =	sor.u32 s1, s0  }
0x3a: {  	s0 =	sadd.s32 $0x8F2B, s0  }
0x3b: {  	[sflag:s0] =	ssyncadd.remote.s32 $0x1  }
0x3c: {  	_ =	sfence.sel $0xFFFF  }
0x3d: {  	[dreg:$0x0] =	wrdreg $0xFFFFFFFF;
	(pc) =	sbr.abs _section_cstart, $3  }
0x3e: {  	[dreg:$0x1] =	wrdreg $0xFFFFFFFF  }
0x3f: {  	_ =	task.clear_ibuf [dreg:s7], $0x2FFFF;
	_ =	strace $0x9FFFFFFF  }
0x40: {  	(tm) =	ssettm $0x7FFFFFFF  }
0x41: {  	_ =	shalt  }
tec
execute0_lowered:
.L_overlay_start_1:
0x0: {  	(tag) =	ssettag $0x1  }
0x1: {  	s0 =	srdreg.scid  }
0x2: {  	s1 =	sshll.u32 s0, $0x4  }
0x3: {  	s0 =	stileid.u32;
	s1 =	sand.u32 $0x10, s1  }
0x4: {  	s1 =	sor.u32 s0, s1  }
0x5: {  	s6 =	rddreg [dreg:$0x0];
	s4 =	simm.s32 $0x1;
	s2 =	sshll.u32 s1, $0x7  }
0x6: {  	s7 =	simm.s32 $0x2;
	s12 =	simm.s32 $0x0;
	s1 =	ssub.s32 $0x4000, s2  }
0x7: {  	s8 =	simm.s32 $0x20000;
	s13 =	simm.s32 $0x0;
	s3 =	sand.u32 $0xF80, s1  }
0x8: {  	s9 =	simm.s32 $0x0;
	s5 =	sshrl.u32 s1, $0xC;
	p0 =	sne.s32 s3, $0x0  }
.Ltmp0:
0x9: {  	s1 =	rddreg [dreg:$0x2];
	s4 =	simm.s32 @!p0 $0x0;
	(pc) =	sbr.rel .LBB1_1-.Ltmp0, $4  }
0xa: {  	s11 =	simm.s32 $0x0;
	s3 =	rddreg [dreg:$0x1];
	s5 =	sadd.s32 s4, s5  }
0xb: {  	_ =	strace $0x8000004A;
	s4 =	simm.s32 $0x1;
	s5 =	smul.u32 $0x32, s5  }
0xc: {  	s6 =	sadd.s32 $0x1200, s6;
	s10 =	smov.u32 s2;
	[sflag:s4] =	ssyncpa.u1 $0x0  }
0xd: {  	p0 =	por $0x0, $0x0;
	[sflag:s7] =	ssyncpa.u1 $0x0;
	s7 =	sor.u32 $0x1, s5  }
.LBB1_4:
0xe: {  	s16 =	sshll.u32 s13, $0x3;
	s17 =	sand.u32 $0x78, s13  }
0xf: {  	s30 =	sand.u32 $0x1F800, s13;
	s12 =	sshll.u32 s12, $0x11;
	s16 =	sand.u32 $0x3C00, s16  }
0x10: {  	[tilespmem:s15+$0x810 ss:$0x81] =	vst.msk $0xffff, v2;
	s31 =	sand.u32 $0x7, s13;
	s16 =	sor.u32 s17, s16;
	s17 =	sadd.s32 s3, s30  }
0x11: {  	[tilespmem:s15+$0x1020 ss:$0x81] =	vst.msk $0xffff, v0;
	s13 =	sshll.u32 s31, $0x12;
	s12 =	sadd.s32 s12, s17;
	s16 =	sshrl.u32 s16, $0x3  }
0x12: {  	[tilespmem:s15+$0x0 ss:$0x81] =	vst.msk $0xffff, v1;
	s13 =	sor.u32 $0x400, s13;
	s12 =	sadd.s32 s16, s12  }
0x13: {  	[hbm4b:s12+s13] =	stream.strided.scatter [tilespmem:s14], [sflag:$0x2], $0x2000, s8, s13, $0x20;
	[tilespmem:$0x8080] =	vst v63  }
.LBB1_5:
0x14: {  	s14 =	sadd.s32 $0x1, s9  }
0x15: {  	s12 =	sadd.s32 $0x1000, s10;
	s16 =	smov.u32 s10;
	p2 =	sgt.s32 s14, $0x31  }
0x16: {  	s16 =	smov.u32 @p2 s12  }
0x17: {  	s14 =	simm.s32 @p2 $0x0;
	p2 =	sgt.s32 s16, $0x3FFF  }
0x18: {  	s16 =	smov.u32 @p2 s2;
	p2 =	sne.s32 s11, s7  }
.Ltmp1:
0x19: {  	p1 =	slt.u32 s11, $0x2;
	(pc) =	sbr.rel @!p2 .LBB1_6-.Ltmp1, $4  }
0x1a: {  	s15 =	simm.s32 @!p1 $0x2  }
0x1b: {  	s13 =	smov.u32 s10;
	p0 =	por !p0, !p0;
	_ =	swait.ge @!p1 [sflag:s15], $0x2000  }
0x1c: {  	s12 =	smov.u32 s9;
	[sflag:s15] =	ssyncset.done @!p1 $0x0;
	s9 =	smov.u32 s14  }
0x1d: {  	s11 =	sadd.s32 $0x1, s11;
	[sflag:s15] =	ssyncadd.s32 @!p1 $0xFFFFE000;
	s10 =	smov.u32 s16  }
.LBB1_1:
0x1e: {  	p1 =	sge.u32 s11, s5  }
0x1f: {  	s14 =	sand.u32 @!p1 $0x1FFFFFF, s9  }
0x20: {  	s15 =	smulhi.u32 @!p1 $0x4924925, s14;
	_ =	sdelay $0x1  }
0x21: {  	s15 =	smul.u32 @!p1 $0x38, s15  }
0x22: {  	s16 =	sxor.u32 @!p1 $0xFFFFFFFF, s11;
	s17 =	smul.u32 @!p1 $0x380, s10  }
0x23: {  	s31 =	sadd.s32 $0xFFFFFFFF, s11;
	s16 =	sshll.u32 @!p1 s16, $0xD;
	s14 =	ssub.s32 @!p1 s14, s15  }
0x24: {  	s15 =	sand.u32 @!p1 $0x2000, s16;
	s16 =	sadd.s32 @!p1 s6, s17;
	s14 =	sshll.u32 @!p1 s14, $0x4  }
0x25: {  	s17 =	simm.s32 @!p1 $0x1C00;
	s14 =	sadd.s32 @!p1 s14, s16;
	s16 =	simm.s32 @!p1 $0x40  }
0x26: {  	[tilespmem:s15], [sflag:$0x1] =	stream.strided.gather @!p1 [hbm4b:s14+s16], $0x2000, s17, s16, $0x38;
	[tilespmem:$0x8080] =	vst v63  }
0x27: {  	p1 =	sge.u32 s31, s5  }
.Ltmp2:
0x28: {  	_ = 	snop;
	(pc) =	sbr.rel @p1 .LBB1_5-.Ltmp2, $1  }
0x29: {  	_ =	sdelay $0x3  }
0x2a: {  	s14 =	simm.s32 $0x1  }
0x2b: {  	_ =	swait.ge [sflag:s4], $0x2000;
	s14 =	simm.s32 @!p0 $0x0  }
0x2c: {  	[sflag:s4] =	ssyncset.done $0x0;
	s15 =	sshll.u32 s14, $0xD  }
0x2d: {  	[sflag:s4] =	ssyncadd.s32 $0xFFFFE000;
	s18 =	sor.u32 $0x20, s15  }
0x2e: {  	s14 =	smul.u32 $0x8100, s14;
	v3 =	vld [tilespmem:s18+$0x10]  }
0x2f: {  	s30 =	sand.u32 $0x1, s11;
	v2 =	vld [tilespmem:s18+$0xFFFFFFF0]  }
0x30: {  	s15 =	smul.u32 $0x8100, s30;
	s14 =	sshrl.u32 s14, $0x2;
	v0 =	vld [tilespmem:s18+$0x0]  }
0x31: {  	v1 =	vld [tilespmem:s18+$0xFFFFFFE0];
	s16 =	sor.u32 $0x4000, s14  }
0x32: {  	s31 =	sshrl.u32 s15, $0x2;
	s15 =	sadd.s32 $0x0, s16  }
0x33: {  	s17 =	simm.s32 $0x4;
	s18 =	sadd.s32 $0x40, s18;
	s14 =	sor.u32 $0x4000, s31;
	[tilespmem:s15+$0x1830 ss:$0x81] =	vst.msk $0xffff, v3  }
.LBB1_3:
0x34: {  	v3 =	vld [tilespmem:s18+$0x10];
	p1 =	sne.s32 s17, $0x1FC;
	[tilespmem:s15+$0x810 ss:$0x81] =	vst.msk $0xffff, v2;
	s19 =	smov.u32 s17;
	s17 =	sadd.s32 $0x4, s17  }
.Ltmp3:
0x35: {  	v2 =	vld [tilespmem:s18+$0xFFFFFFF0];
	[tilespmem:s15+$0x1020 ss:$0x81] =	vst.msk $0xffff, v0;
	(pc) =	sbr.rel @p1 .LBB1_3-.Ltmp3, $4  }
0x36: {  	v0 =	vld [tilespmem:s18+$0x0];
	[tilespmem:s15+$0x0 ss:$0x81] =	vst.msk $0xffff, v1  }
0x37: {  	s15 =	sshra.s32 s19, $0x2;
	v1 =	vld [tilespmem:s18+$0xFFFFFFE0]  }
0x38: {  	s15 =	sadd.s32 s15, s16  }
0x39: {  	s18 =	sadd.s32 $0x40, s18;
	[tilespmem:s15+$0x1830 ss:$0x81] =	vst.msk $0xffff, v3  }
.Ltmp4:
0x3a: {  	_ = 	snop;
	(pc) =	sbr.rel .LBB1_4-.Ltmp4, $1  }
0x3b: {  	_ =	sdelay $0x3  }
.LBB1_6:
0x3c: {  	_ =	sfence.sel $0x180000  }
0x3d: {  	s2 =	simm.s32 $0x1;
	[bflag:$0x0] =	sbarrier.arrive $0xFFFF  }
0x3e: {  	s31 =	simm.s32 $0x2;
	[sflag:s2] =	ssyncpa.u1 $0x1  }
0x3f: {  	[sflag:s31] =	ssyncpa.u1 $0x1  }
0x40: {  	p0 =	sne.s32 s0, $0x0;
	_ =	strace $0x9000004A  }
0x41: {  	s0 =	sadd.s32 @!p0 $0x100000, s1;
	[bflag:$0x2] =	sbarrier.arrive $0xFFFF  }
0x42: {  	[sflag:s0] =	ssyncadd.tile.s32 @!p0 $0x1;
	_ =	shalt  }
.Lfunc_end1:
_tile_overlayer_lowered:
.L_overlay_start_2:
0x43: {  	(tag) =	ssettag $0x2  }
0x44: {  	s0 =	rddreg [dreg:$0x0];
	s2 =	stileid.u32  }
0x45: {  	s1 =	rddreg [dreg:$0x1];
	p0 =	sne.s32 s2, $0x0  }
0x46: {  	s3 =	rddreg [dreg:$0x2];
	[bflag:$0x3] =	sbarrier.arrive $0xFFFF;
	s2 =	simm.s32 @!p0 $0x1C01  }
0x47: {  	[timem:s3], [sflag:s2] =	dma.local @!p0 [hbm:s0], s1  }
0x48: {  	s0 =	simm.s32 @!p0 $0x1  }
0x49: {  	_ =	swait.ge @!p0 [sflag:s0], s1  }
0x4a: {  	s1 =	ssub.s32 @!p0 $0x0, s1;
	[sflag:s0] =	ssyncset.done @!p0 $0x0  }
0x4b: {  	[sflag:s0] =	ssyncadd.s32 @!p0 s1  }
0x4c: {  	[bflag:$0x3] =	sbarrier.arrive $0xFFFF  }
0x4d: {  	_ =	shalt  }

</sc_bundles>
